<compile_context>
chip_gen: v7x
topology: tpu7x:2x2x1
jax: 0.10.2.dev20260603
libtpu: 0.0.44.dev20260713+nightly
codegen_flags: <defaults>
</compile_context>

<pallas_src>
import functools

import jax
import jax.numpy as jnp
from jax import lax
from jax.experimental import pallas as pl
from jax.experimental.pallas import tpu as pltpu
from jax.experimental.pallas import tpu_sc as plsc

N = 10000
NP = 10240
E = 320000
EP = 327680
NF = 16
NCAT = 1000
EMB = 8
DEGW = 16
IN = NF * EMB
HID = 128
OUT = 64

NC = 2
NS = 16
NW = NC * NS
LANES = 16

ROWS_PER_TILE = NP // NS

def _sc_mesh():
    return plsc.VectorSubcoreMesh(
        core_axis_name="c", subcore_axis_name="s",
        num_cores=NC, num_subcores=NS)


_SC_PARAMS = pltpu.CompilerParams(use_tc_tiling_on_sc=False)


def _fill(ref, nrows, ncols, value):
    nv = ncols // LANES
    v = jnp.full((LANES,), value, jnp.float32)

    def body(i, carry):
        r = i // nv
        k = i % nv
        ref[r, pl.ds(k * LANES, LANES)] = v
        return carry

    lax.fori_loop(0, nrows * nv, body, 0)



EMB_CHUNK = 128
EMB_CHUNKS = (NP * NF // NW) // EMB_CHUNK
DEG_CHUNK = 128
DEG_CHUNKS = (EP // NW) // DEG_CHUNK


def _emb_deg_body(fidx_hbm, emb_hbm, ecol_hbm, xpad_out, deg_out,
                  zb16, ones_v, colidx, fidxb, g0, g1, dacc, sem0, sem1,
                  ps0, ps1):
    c = lax.axis_index("c")
    s = lax.axis_index("s")
    w = c * NS + s

    _fill(zb16, ROWS_PER_TILE, DEGW, 0.0)
    pltpu.sync_copy(zb16, dacc.at[pl.ds(s * ROWS_PER_TILE, ROWS_PER_TILE)])
    _fill(ones_v, DEG_CHUNK, DEGW, 1.0)
    pltpu.sync_copy(ecol_hbm.at[pl.ds(w * DEG_CHUNKS, DEG_CHUNKS)], colidx)
    pltpu.sync_copy(fidx_hbm.at[pl.ds(w * EMB_CHUNKS, EMB_CHUNKS)], fidxb)
    plsc.subcore_barrier()

    def dbody(i2, carry):
        i = 2 * i2
        pltpu.async_copy(ones_v, dacc.at[colidx.at[i]], ps0, add=True)
        pltpu.async_copy(ones_v, dacc.at[colidx.at[i + 1]], ps1, add=True)
        pltpu.make_async_copy(ones_v, dacc.at[colidx.at[0]], ps0).wait()
        pltpu.make_async_copy(ones_v, dacc.at[colidx.at[0]], ps1).wait()
        return carry

    lax.fori_loop(0, DEG_CHUNKS // 2, dbody, 0)

    lbase = w * (NP * NF // NW)

    def _fire(i, gb, sm):
        pltpu.async_copy(emb_hbm.at[fidxb.at[i]], gb, sm)

    def _gwait(gb, sm):
        pltpu.make_async_copy(emb_hbm.at[fidxb.at[0]], gb, sm).wait()

    def _put(i, gb, sm):
        pltpu.async_copy(
            gb, xpad_out.at[pl.ds(lbase + i * EMB_CHUNK, EMB_CHUNK)], sm)

    def _pwait(gb, sm):
        pltpu.make_async_copy(
            gb, xpad_out.at[pl.ds(lbase, EMB_CHUNK)], sm).wait()

    _fire(0, g0, sem0)
    _fire(1, g1, sem1)

    def ebody(i2, carry):
        i = 2 * i2
        _gwait(g0, sem0)
        _put(i, g0, ps0)
        _gwait(g1, sem1)
        _put(i + 1, g1, ps1)

        @pl.when(i + 2 < EMB_CHUNKS)
        def _():
            _pwait(g0, ps0)
            _fire(i + 2, g0, sem0)

        @pl.when(i + 3 < EMB_CHUNKS)
        def _():
            _pwait(g1, ps1)
            _fire(i + 3, g1, sem1)

        return carry

    lax.fori_loop(0, EMB_CHUNKS // 2, ebody, 0)
    _pwait(g0, ps0)
    _pwait(g1, ps1)

    plsc.subcore_barrier()
    pltpu.sync_copy(dacc.at[pl.ds(s * ROWS_PER_TILE, ROWS_PER_TILE)], zb16)
    pltpu.sync_copy(zb16, deg_out.at[c, pl.ds(s * ROWS_PER_TILE, ROWS_PER_TILE)])


@functools.cache
def _make_emb_deg_kernel():
    return pl.kernel(
    _emb_deg_body,
    out_type=(
        jax.ShapeDtypeStruct((NP * NF, EMB), jnp.float32),
        jax.ShapeDtypeStruct((NC, NP, DEGW), jnp.float32),
    ),
    mesh=_sc_mesh(),
    compiler_params=_SC_PARAMS,
    scratch_types=[
        pltpu.VMEM((ROWS_PER_TILE, DEGW), jnp.float32),
        pltpu.VMEM((DEG_CHUNK, DEGW), jnp.float32),
        pltpu.VMEM((DEG_CHUNKS, DEG_CHUNK), jnp.int32),
        pltpu.VMEM((EMB_CHUNKS, EMB_CHUNK), jnp.int32),
        pltpu.VMEM((EMB_CHUNK, EMB), jnp.float32),
        pltpu.VMEM((EMB_CHUNK, EMB), jnp.float32),
        pltpu.VMEM_SHARED((NP, DEGW), jnp.float32),
        pltpu.SemaphoreType.DMA,
        pltpu.SemaphoreType.DMA,
        pltpu.SemaphoreType.DMA,
        pltpu.SemaphoreType.DMA,
    ],
    )



EDGE_CHUNK = 128
EDGE_CHUNKS = (EP // NS) // EDGE_CHUNK


def _scatter_body(w, yh_hbm, erow_hbm, ecol_hbm, sh_out,
                  rowidx, colidx, g0, g1, acc, sem0, sem1):
    c = lax.axis_index("c")
    s = lax.axis_index("s")

    _fill(g0, EDGE_CHUNK, w, 0.0)

    def zbody(r, carry):
        pltpu.sync_copy(
            g0, acc.at[pl.ds(s * ROWS_PER_TILE + r * EDGE_CHUNK, EDGE_CHUNK)])
        return carry

    lax.fori_loop(0, ROWS_PER_TILE // EDGE_CHUNK, zbody, 0)
    pltpu.sync_copy(erow_hbm.at[pl.ds(s * EDGE_CHUNKS, EDGE_CHUNKS)], rowidx)
    pltpu.sync_copy(ecol_hbm.at[pl.ds(s * EDGE_CHUNKS, EDGE_CHUNKS)], colidx)
    roff = c * NP

    def adj(k, carry):
        r = k // (EDGE_CHUNK // LANES)
        j = k % (EDGE_CHUNK // LANES)
        rowidx[r, pl.ds(j * LANES, LANES)] = (
            rowidx[r, pl.ds(j * LANES, LANES)] + roff)
        return carry

    @pl.when(c > 0)
    def _():
        lax.fori_loop(0, EDGE_CHUNKS * (EDGE_CHUNK // LANES), adj, 0)

    plsc.subcore_barrier()

    def _fire(i, gb, sm):
        pltpu.async_copy(yh_hbm.at[rowidx.at[i]], gb, sm)

    def _gwait(gb, sm):
        pltpu.make_async_copy(yh_hbm.at[rowidx.at[0]], gb, sm).wait()

    def _scat(i, gb):
        pltpu.sync_copy(gb, acc.at[colidx.at[i]], add=True)

    _fire(0, g0, sem0)

    def body(i2, carry):
        i = 2 * i2
        _fire(i + 1, g1, sem1)
        _gwait(g0, sem0)
        _scat(i, g0)

        @pl.when(i + 2 < EDGE_CHUNKS)
        def _():
            _fire(i + 2, g0, sem0)

        _gwait(g1, sem1)
        _scat(i + 1, g1)
        return carry

    lax.fori_loop(0, EDGE_CHUNKS // 2, body, 0)

    plsc.subcore_barrier()

    def obody(r, carry):
        base = s * ROWS_PER_TILE + r * EDGE_CHUNK
        pltpu.sync_copy(acc.at[pl.ds(base, EDGE_CHUNK)], g0)
        pltpu.sync_copy(g0, sh_out.at[c, pl.ds(base, EDGE_CHUNK)])
        return carry

    lax.fori_loop(0, ROWS_PER_TILE // EDGE_CHUNK, obody, 0)


@functools.cache
def _make_scatter_kernel(w):
    return pl.kernel(
        functools.partial(_scatter_body, w),
        out_type=jax.ShapeDtypeStruct((NC, NP, w), jnp.float32),
        mesh=_sc_mesh(),
        compiler_params=_SC_PARAMS,
        scratch_types=[
            pltpu.VMEM((EDGE_CHUNKS, EDGE_CHUNK), jnp.int32),
            pltpu.VMEM((EDGE_CHUNKS, EDGE_CHUNK), jnp.int32),
            pltpu.VMEM((EDGE_CHUNK, w), jnp.float32),
            pltpu.VMEM((EDGE_CHUNK, w), jnp.float32),
            pltpu.VMEM_SHARED((NP, w), jnp.float32),
            pltpu.SemaphoreType.DMA,
            pltpu.SemaphoreType.DMA,
        ],
    )



ROW_BLK = 2048


def _dis_block(deg_ref):
    cnt = deg_ref[0, :, :1] + deg_ref[1, :, :1]
    return lax.rsqrt(cnt + 1.0)


def _tc_b_body(x_ref, w_ref, deg_ref, y_ref):
    dis = _dis_block(deg_ref)
    y = jnp.dot(x_ref[...], w_ref[...], preferred_element_type=jnp.float32)
    y = y * dis
    y_ref[0] = y[:, :HID // 2]
    y_ref[1] = y[:, HID // 2:]


def _tc_d_body(s_ref, y_ref, deg_ref, b1_ref, w2_ref, o_ref):
    dis = _dis_block(deg_ref)
    b1 = b1_ref[...]
    t0 = dis * (s_ref[0] + y_ref[0]) + b1[:, :HID // 2]
    t1 = dis * (s_ref[1] + y_ref[1]) + b1[:, HID // 2:]
    h = jnp.maximum(jnp.concatenate([t0, t1], axis=1), 0.0)
    y2 = jnp.dot(h, w2_ref[...], preferred_element_type=jnp.float32) * dis
    o_ref[0] = y2[:, :OUT // 2]
    o_ref[1] = y2[:, OUT // 2:]


def _tc_f_body(s_ref, y_ref, deg_ref, b2_ref, o_ref):
    dis = _dis_block(deg_ref)
    full = jnp.concatenate(
        [s_ref[0] + y_ref[0], s_ref[1] + y_ref[1]], axis=1)
    o_ref[...] = dis * full + b2_ref[...]


def _halves_spec(w):
    return pl.BlockSpec((NC, ROW_BLK, w), lambda i: (0, i, 0))


_DEG_SPEC = pl.BlockSpec((NC, ROW_BLK, DEGW), lambda i: (0, i, 0))
_GRID = (NP // ROW_BLK,)


def _tc_b(xpad, w1p, deg):
    return pl.pallas_call(
        _tc_b_body,
        grid=_GRID,
        in_specs=[
            pl.BlockSpec((ROW_BLK, IN), lambda i: (i, 0)),
            pl.BlockSpec((IN, HID), lambda i: (0, 0)),
            _DEG_SPEC,
        ],
        out_specs=_halves_spec(HID // 2),
        out_shape=jax.ShapeDtypeStruct((NC, NP, HID // 2), jnp.float32),
    )(xpad, w1p, deg)


def _tc_d(s1h, y1h, deg, b1, w2):
    return pl.pallas_call(
        _tc_d_body,
        grid=_GRID,
        in_specs=[
            _halves_spec(HID // 2),
            _halves_spec(HID // 2),
            _DEG_SPEC,
            pl.BlockSpec((1, HID), lambda i: (0, 0)),
            pl.BlockSpec((HID, OUT), lambda i: (0, 0)),
        ],
        out_specs=_halves_spec(OUT // 2),
        out_shape=jax.ShapeDtypeStruct((NC, NP, OUT // 2), jnp.float32),
    )(s1h, y1h, deg, b1, w2)


def _tc_f(s2h, y2h, deg, b2):
    return pl.pallas_call(
        _tc_f_body,
        grid=_GRID,
        in_specs=[
            _halves_spec(OUT // 2),
            _halves_spec(OUT // 2),
            _DEG_SPEC,
            pl.BlockSpec((1, OUT), lambda i: (0, 0)),
        ],
        out_specs=pl.BlockSpec((ROW_BLK, OUT), lambda i: (i, 0)),
        out_shape=jax.ShapeDtypeStruct((N, OUT), jnp.float32),
    )(s2h, y2h, deg, b2)



def kernel(x_cat, edge_index, emb_tables, W1, b1, W2, b2):
    xcat_pad = jnp.pad(x_cat, ((0, NP - N), (0, 0)))
    fidx = (xcat_pad
            + jnp.arange(NF, dtype=jnp.int32)[None, :] * NCAT).reshape(-1)
    emb_flat = emb_tables.reshape(NF * NCAT, EMB)
    pad_ids = (N + jnp.arange(EP - E, dtype=jnp.int32) % (NP - N))[None, :]
    ei = jnp.concatenate(
        [edge_index, jnp.broadcast_to(pad_ids, (2, EP - E))], axis=1)
    erow = ei[0].reshape(EP // EDGE_CHUNK, EDGE_CHUNK)
    ecol = ei[1].reshape(EP // EDGE_CHUNK, EDGE_CHUNK)
    fidx = fidx.reshape((NP * NF) // EMB_CHUNK, EMB_CHUNK)

    xpad, deg = _make_emb_deg_kernel()(fidx, emb_flat, ecol)
    xpad = xpad.reshape(NP, IN)

    y1h = _tc_b(xpad, W1, deg)
    s1h = _make_scatter_kernel(HID // 2)(
        y1h.reshape(NC * NP, HID // 2), erow, ecol)
    y2h = _tc_d(s1h, y1h, deg, b1.reshape(1, HID), W2)
    s2h = _make_scatter_kernel(OUT // 2)(
        y2h.reshape(NC * NP, OUT // 2), erow, ecol)
    return _tc_f(s2h, y2h, deg, b2.reshape(1, OUT))

# --- scband reference (transcript-rebuilt; emitter-appended) ---
"""Pipeline reference for scband-categorical-gcnencoder-32280974197454 (READ-ONLY COPY).

The authoritative reference and input builder live on the scoring server;
editing this copy changes nothing except your own understanding.
"""

import jax, jax.numpy as jnp
import numpy as np

NUM_NODES = 10000
NUM_EDGES = 320000
NUM_FIELDS = 16
NUM_CAT = 1000
EMB_DIM = 8
HIDDEN = 128
OUT = 64
IN_DIM = NUM_FIELDS * EMB_DIM


def setup_inputs(seed: int = 0) -> dict:
    key = jax.random.key(seed)
    ks = jax.random.split(key, 8)
    x_cat = jax.random.randint(ks[0], (NUM_NODES, NUM_FIELDS), 0, NUM_CAT, dtype=jnp.int32)
    edge_index = jax.random.randint(ks[1], (2, NUM_EDGES), 0, NUM_NODES, dtype=jnp.int32)
    emb_tables = jax.random.normal(ks[2], (NUM_FIELDS, NUM_CAT, EMB_DIM), dtype=jnp.float32) * 0.1
    W1 = jax.random.normal(ks[3], (IN_DIM, HIDDEN), dtype=jnp.float32) * (1.0 / np.sqrt(IN_DIM))
    b1 = jnp.zeros((HIDDEN,), dtype=jnp.float32)
    W2 = jax.random.normal(ks[4], (HIDDEN, OUT), dtype=jnp.float32) * (1.0 / np.sqrt(HIDDEN))
    b2 = jnp.zeros((OUT,), dtype=jnp.float32)
    return {"x_cat": x_cat, "edge_index": edge_index, "emb_tables": emb_tables,
            "W1": W1, "b1": b1, "W2": W2, "b2": b2}


def gcn_conv(x, edge_index, W, b):
    # Faithful to PyG GCNConv with add_self_loops=True, normalize=True (symmetric norm)
    row = edge_index[0]
    col = edge_index[1]
    loop = jnp.arange(NUM_NODES, dtype=row.dtype)
    row = jnp.concatenate([row, loop])
    col = jnp.concatenate([col, loop])
    deg = jnp.zeros((NUM_NODES,), dtype=x.dtype).at[col].add(1.0)
    deg_inv_sqrt = jnp.where(deg > 0, jax.lax.rsqrt(jnp.maximum(deg, 1e-12)), 0.0)
    norm = deg_inv_sqrt[row] * deg_inv_sqrt[col]
    xw = x @ W
    msg = xw[row] * norm[:, None]
    out = jnp.zeros((NUM_NODES, W.shape[1]), dtype=x.dtype).at[col].add(msg)
    return out + b


def reference(x_cat, edge_index, emb_tables, W1, b1, W2, b2):
    embs = [emb_tables[i][x_cat[:, i]] for i in range(NUM_FIELDS)]
    x = jnp.concatenate(embs, axis=-1)
    x = gcn_conv(x, edge_index, W1, b1)
    x = jax.nn.relu(x)
    x = gcn_conv(x, edge_index, W2, b2)
    return x

if __name__ == "__main__":
    import jax
    _d = setup_inputs()
    print(jax.jit(kernel)(*tuple(_d.values())))

</pallas_src>

<mosaic_0001>
#map = affine_map<(d0, d1) -> (0, 0)>
#map1 = affine_map<(d0, d1) -> (0, 0, 0)>
module attributes {stable_mosaic.version = 14 : i64} {
  func.func @_scatter_body(%arg0: i32, %arg1: i32, %arg2: memref<20480x32xf32, #tpu.memory_space<hbm>>, %arg3: memref<2560x128xi32, #tpu.memory_space<hbm>>, %arg4: memref<2560x128xi32, #tpu.memory_space<hbm>>, %arg5: memref<2x10240x32xf32, #tpu.memory_space<hbm>>, %arg6: memref<160x128xi32, #tpu.memory_space<vmem>>, %arg7: memref<160x128xi32, #tpu.memory_space<vmem>>, %arg8: memref<128x32xf32, #tpu.memory_space<vmem>>, %arg9: memref<128x32xf32, #tpu.memory_space<vmem>>, %arg10: memref<10240x32xf32, #tpu.memory_space<vmem_shared>>, %arg11: memref<!tpu.dma_semaphore, #tpu.memory_space<semaphore_mem>>, %arg12: memref<!tpu.dma_semaphore, #tpu.memory_space<semaphore_mem>>) attributes {dimension_semantics = [#tpu.dimension_semantics<core_parallel>, #tpu.dimension_semantics<subcore_parallel>], iteration_bounds = array<i64: 2, 16>, scalar_prefetch = 0 : i64, scratch_operands = 7 : i64, tpu.core_type = #tpu.core_type<sc_vector_subcore>, window_params = [{transform_indices = #map}, {transform_indices = #map}, {transform_indices = #map}, {transform_indices = #map1}]} {
    %broadcast_in_dim3A = arith.constant 0.000000e+00 : f32
    %broadcast_in_dim3A_0 = vector.broadcast %broadcast_in_dim3A : f32 to vector<16xf32>
    %scan3A = arith.constant 0 : i32
    %scan3A_1 = arith.constant 0 : i32
    %scan3A_2 = arith.constant 256 : i32
    %scan3A_3 = arith.addi %scan3A_1, %scan3A_2 : i32
    %scan3A_4 = arith.constant 1 : i32
    scf.for %scan3A_38 = %scan3A_1 to %scan3A_3 step %scan3A_4  : i32 {
      %jit3A = arith.constant 2 : i32
      %div3A = arith.divsi %scan3A_38, %jit3A : i32
      %sign3A = arith.constant 0 : i32
      %sign3A_39 = arith.cmpi sgt, %scan3A_38, %sign3A : i32
      %sign3A_40 = arith.extui %sign3A_39 : i1 to i32
      %sign3A_41 = arith.constant 0 : i32
      %sign3A_42 = arith.cmpi slt, %scan3A_38, %sign3A_41 : i32
      %sign3A_43 = arith.extui %sign3A_42 : i1 to i32
      %sign3A_44 = arith.subi %sign3A_40, %sign3A_43 : i32
      %sign3A_45 = arith.constant 0 : i32
      %sign3A_46 = arith.cmpi sgt, %jit3A, %sign3A_45 : i32
      %sign3A_47 = arith.extui %sign3A_46 : i1 to i32
      %sign3A_48 = arith.constant 0 : i32
      %sign3A_49 = arith.cmpi slt, %jit3A, %sign3A_48 : i32
      %sign3A_50 = arith.extui %sign3A_49 : i1 to i32
      %sign3A_51 = arith.subi %sign3A_47, %sign3A_50 : i32
      %ne3A = arith.cmpi ne, %sign3A_44, %sign3A_51 : i32
      %rem3A = arith.remsi %scan3A_38, %jit3A : i32
      %ne3A_52 = arith.constant 0 : i32
      %ne3A_53 = arith.cmpi ne, %rem3A, %ne3A_52 : i32
      %and3A = arith.andi %ne3A, %ne3A_53 : i1
      %sub3A = arith.constant 1 : i32
      %sub3A_54 = arith.subi %div3A, %sub3A : i32
      %select_n3A = arith.select %and3A, %sub3A_54, %div3A : i32
      %jit3A_55 = arith.constant 2 : i32
      %eq3A = arith.constant 0 : i32
      %eq3A_56 = arith.cmpi eq, %jit3A_55, %eq3A : i32
      %jit3A_57 = arith.constant 1 : i32
      %select_n3A_58 = arith.select %eq3A_56, %jit3A_57, %jit3A_55 : i32
      %rem3A_59 = arith.remsi %scan3A_38, %select_n3A_58 : i32
      %ne3A_60 = arith.constant 0 : i32
      %ne3A_61 = arith.cmpi ne, %rem3A_59, %ne3A_60 : i32
      %lt3A = arith.constant 0 : i32
      %lt3A_62 = arith.cmpi slt, %rem3A_59, %lt3A : i32
      %lt3A_63 = arith.constant 0 : i32
      %lt3A_64 = arith.cmpi slt, %select_n3A_58, %lt3A_63 : i32
      %ne3A_65 = arith.xori %lt3A_62, %lt3A_64 : i1
      %and3A_66 = arith.andi %ne3A_65, %ne3A_61 : i1
      %add3A = arith.addi %rem3A_59, %select_n3A_58 : i32
      %select_n3A_67 = arith.select %and3A_66, %add3A, %rem3A_59 : i32
      %mul3A_68 = arith.constant 16 : i32
      %mul3A_69 = arith.muli %select_n3A_67, %mul3A_68 : i32
      %swap3A = arith.index_cast %select_n3A : i32 to index
      %swap3A_70 = arith.index_cast %mul3A_69 : i32 to index
      %swap3A_71 = tpu.vector_load %arg8[%swap3A, %swap3A_70] {strides = array<i32>} : memref<128x32xf32, #tpu.memory_space<vmem>>, vector<1x16xf32>,
      %swap3A_72 = vector.shape_cast %swap3A_71 : vector<1x16xf32> to vector<16xf32>
      %swap3A_73 = vector.shape_cast %broadcast_in_dim3A_0 : vector<16xf32> to vector<1x16xf32>
      tpu.vector_store %arg8[%swap3A, %swap3A_70], %swap3A_73 {strides = array<i32>} : memref<128x32xf32, #tpu.memory_space<vmem>>, vector<1x16xf32>,
    }
    %scan3A_5 = arith.constant 256 : i32
    %scan3A_6 = arith.constant 0 : i32
    %scan3A_7 = arith.constant 0 : i32
    %scan3A_8 = arith.constant 5 : i32
    %scan3A_9 = arith.addi %scan3A_7, %scan3A_8 : i32
    %scan3A_10 = arith.constant 1 : i32
    scf.for %scan3A_38 = %scan3A_7 to %scan3A_9 step %scan3A_10  : i32 {
      %mul3A_39 = arith.constant 640 : i32
      %mul3A_40 = arith.muli %arg1, %mul3A_39 : i32
      %mul3A_41 = arith.constant 128 : i32
      %mul3A_42 = arith.muli %scan3A_38, %mul3A_41 : i32
      %add3A = arith.addi %mul3A_40, %mul3A_42 : i32
      "tpu.region"() ({
        %run_scoped3A = tpu.sem_alloc : memref<!tpu.dma_semaphore, #tpu.memory_space<semaphore_mem>>
        %dma_start3A_43 = arith.constant 0 : i32
        %dma_start3A_44 = tpu.memref_slice %arg10[%add3A, %dma_start3A_43] : memref<10240x32xf32, #tpu.memory_space<vmem_shared>> -> memref<128x32xf32, #tpu.memory_space<vmem_shared>>
        %dma_start3A_45 = arith.constant 0 : i32
        %dma_start3A_46 = tpu.memref_slice %arg10[%add3A, %dma_start3A_45] : memref<10240x32xf32, #tpu.memory_space<vmem_shared>> -> memref<128x32xf32, #tpu.memory_space<vmem_shared>>
        tpu.enqueue_dma source(%arg8 : memref<128x32xf32, #tpu.memory_space<vmem>>) target(%dma_start3A_46 : memref<128x32xf32, #tpu.memory_space<vmem_shared>>) target_semaphore(%run_scoped3A : memref<!tpu.dma_semaphore, #tpu.memory_space<semaphore_mem>>)
        %dma_wait3A = arith.constant 0 : i32
        %dma_wait3A_47 = tpu.memref_slice %arg10[%add3A, %dma_wait3A] : memref<10240x32xf32, #tpu.memory_space<vmem_shared>> -> memref<128x32xf32, #tpu.memory_space<vmem_shared>>
        %dma_wait3A_48 = arith.constant 0 : i32
        %dma_wait3A_49 = tpu.memref_slice %arg10[%add3A, %dma_wait3A_48] : memref<10240x32xf32, #tpu.memory_space<vmem_shared>> -> memref<128x32xf32, #tpu.memory_space<vmem_shared>>
        tpu.wait_dma2 semaphore(%run_scoped3A : memref<!tpu.dma_semaphore, #tpu.memory_space<semaphore_mem>>) src(%arg8 : memref<128x32xf32, #tpu.memory_space<vmem>>) dst(%dma_wait3A_49 : memref<128x32xf32, #tpu.memory_space<vmem_shared>>)
        tpu.yield
      }) : () -> ()
    }
    %scan3A_11 = arith.constant 5 : i32
    %mul3A = arith.constant 160 : i32
    %mul3A_12 = arith.muli %arg1, %mul3A : i32
    "tpu.region"() ({
      %run_scoped3A = tpu.sem_alloc : memref<!tpu.dma_semaphore, #tpu.memory_space<semaphore_mem>>
      %dma_start3A_38 = arith.constant 0 : i32
      %dma_start3A_39 = tpu.memref_slice %arg3[%mul3A_12, %dma_start3A_38] : memref<2560x128xi32, #tpu.memory_space<hbm>> -> memref<160x128xi32, #tpu.memory_space<hbm>>
      %dma_start3A_40 = arith.constant 0 : i32
      %dma_start3A_41 = tpu.memref_slice %arg3[%mul3A_12, %dma_start3A_40] : memref<2560x128xi32, #tpu.memory_space<hbm>> -> memref<160x128xi32, #tpu.memory_space<hbm>>
      tpu.enqueue_dma source(%dma_start3A_41 : memref<160x128xi32, #tpu.memory_space<hbm>>) target(%arg6 : memref<160x128xi32, #tpu.memory_space<vmem>>) target_semaphore(%run_scoped3A : memref<!tpu.dma_semaphore, #tpu.memory_space<semaphore_mem>>)
      %dma_wait3A = arith.constant 0 : i32
      %dma_wait3A_42 = tpu.memref_slice %arg3[%mul3A_12, %dma_wait3A] : memref<2560x128xi32, #tpu.memory_space<hbm>> -> memref<160x128xi32, #tpu.memory_space<hbm>>
      %dma_wait3A_43 = arith.constant 0 : i32
      %dma_wait3A_44 = tpu.memref_slice %arg3[%mul3A_12, %dma_wait3A_43] : memref<2560x128xi32, #tpu.memory_space<hbm>> -> memref<160x128xi32, #tpu.memory_space<hbm>>
      tpu.wait_dma2 semaphore(%run_scoped3A : memref<!tpu.dma_semaphore, #tpu.memory_space<semaphore_mem>>) src(%dma_wait3A_44 : memref<160x128xi32, #tpu.memory_space<hbm>>) dst(%arg6 : memref<160x128xi32, #tpu.memory_space<vmem>>)
      tpu.yield
    }) : () -> ()
    %mul3A_13 = arith.constant 160 : i32
    %mul3A_14 = arith.muli %arg1, %mul3A_13 : i32
    "tpu.region"() ({
      %run_scoped3A = tpu.sem_alloc : memref<!tpu.dma_semaphore, #tpu.memory_space<semaphore_mem>>
      %dma_start3A_38 = arith.constant 0 : i32
      %dma_start3A_39 = tpu.memref_slice %arg4[%mul3A_14, %dma_start3A_38] : memref<2560x128xi32, #tpu.memory_space<hbm>> -> memref<160x128xi32, #tpu.memory_space<hbm>>
      %dma_start3A_40 = arith.constant 0 : i32
      %dma_start3A_41 = tpu.memref_slice %arg4[%mul3A_14, %dma_start3A_40] : memref<2560x128xi32, #tpu.memory_space<hbm>> -> memref<160x128xi32, #tpu.memory_space<hbm>>
      tpu.enqueue_dma source(%dma_start3A_41 : memref<160x128xi32, #tpu.memory_space<hbm>>) target(%arg7 : memref<160x128xi32, #tpu.memory_space<vmem>>) target_semaphore(%run_scoped3A : memref<!tpu.dma_semaphore, #tpu.memory_space<semaphore_mem>>)
      %dma_wait3A = arith.constant 0 : i32
      %dma_wait3A_42 = tpu.memref_slice %arg4[%mul3A_14, %dma_wait3A] : memref<2560x128xi32, #tpu.memory_space<hbm>> -> memref<160x128xi32, #tpu.memory_space<hbm>>
      %dma_wait3A_43 = arith.constant 0 : i32
      %dma_wait3A_44 = tpu.memref_slice %arg4[%mul3A_14, %dma_wait3A_43] : memref<2560x128xi32, #tpu.memory_space<hbm>> -> memref<160x128xi32, #tpu.memory_space<hbm>>
      tpu.wait_dma2 semaphore(%run_scoped3A : memref<!tpu.dma_semaphore, #tpu.memory_space<semaphore_mem>>) src(%dma_wait3A_44 : memref<160x128xi32, #tpu.memory_space<hbm>>) dst(%arg7 : memref<160x128xi32, #tpu.memory_space<vmem>>)
      tpu.yield
    }) : () -> ()
    %mul3A_15 = arith.constant 10240 : i32
    %mul3A_16 = arith.muli %arg0, %mul3A_15 : i32
    %gt3A = arith.constant 0 : i32
    %gt3A_17 = arith.cmpi sgt, %arg0, %gt3A : i32
    %convert_element_type3A = arith.extui %gt3A_17 : i1 to i32
    %cond3A = arith.constant 0 : i32
    %cond3A_18 = arith.cmpi ne, %convert_element_type3A, %cond3A : i32
    scf.if %cond3A_18 {
      %scan3A_38 = arith.constant 0 : i32
      %scan3A_39 = arith.constant 0 : i32
      %scan3A_40 = arith.constant 1280 : i32
      %scan3A_41 = arith.addi %scan3A_39, %scan3A_40 : i32
      %scan3A_42 = arith.constant 1 : i32
      scf.for %scan3A_44 = %scan3A_39 to %scan3A_41 step %scan3A_42  : i32 {
        %jit3A = arith.constant 8 : i32
        %div3A = arith.divsi %scan3A_44, %jit3A : i32
        %sign3A = arith.constant 0 : i32
        %sign3A_45 = arith.cmpi sgt, %scan3A_44, %sign3A : i32
        %sign3A_46 = arith.extui %sign3A_45 : i1 to i32
        %sign3A_47 = arith.constant 0 : i32
        %sign3A_48 = arith.cmpi slt, %scan3A_44, %sign3A_47 : i32
        %sign3A_49 = arith.extui %sign3A_48 : i1 to i32
        %sign3A_50 = arith.subi %sign3A_46, %sign3A_49 : i32
        %sign3A_51 = arith.constant 0 : i32
        %sign3A_52 = arith.cmpi sgt, %jit3A, %sign3A_51 : i32
        %sign3A_53 = arith.extui %sign3A_52 : i1 to i32
        %sign3A_54 = arith.constant 0 : i32
        %sign3A_55 = arith.cmpi slt, %jit3A, %sign3A_54 : i32
        %sign3A_56 = arith.extui %sign3A_55 : i1 to i32
        %sign3A_57 = arith.subi %sign3A_53, %sign3A_56 : i32
        %ne3A = arith.cmpi ne, %sign3A_50, %sign3A_57 : i32
        %rem3A = arith.remsi %scan3A_44, %jit3A : i32
        %ne3A_58 = arith.constant 0 : i32
        %ne3A_59 = arith.cmpi ne, %rem3A, %ne3A_58 : i32
        %and3A = arith.andi %ne3A, %ne3A_59 : i1
        %sub3A = arith.constant 1 : i32
        %sub3A_60 = arith.subi %div3A, %sub3A : i32
        %select_n3A = arith.select %and3A, %sub3A_60, %div3A : i32
        %jit3A_61 = arith.constant 8 : i32
        %eq3A = arith.constant 0 : i32
        %eq3A_62 = arith.cmpi eq, %jit3A_61, %eq3A : i32
        %jit3A_63 = arith.constant 1 : i32
        %select_n3A_64 = arith.select %eq3A_62, %jit3A_63, %jit3A_61 : i32
        %rem3A_65 = arith.remsi %scan3A_44, %select_n3A_64 : i32
        %ne3A_66 = arith.constant 0 : i32
        %ne3A_67 = arith.cmpi ne, %rem3A_65, %ne3A_66 : i32
        %lt3A = arith.constant 0 : i32
        %lt3A_68 = arith.cmpi slt, %rem3A_65, %lt3A : i32
        %lt3A_69 = arith.constant 0 : i32
        %lt3A_70 = arith.cmpi slt, %select_n3A_64, %lt3A_69 : i32
        %ne3A_71 = arith.xori %lt3A_68, %lt3A_70 : i1
        %and3A_72 = arith.andi %ne3A_71, %ne3A_67 : i1
        %add3A = arith.addi %rem3A_65, %select_n3A_64 : i32
        %select_n3A_73 = arith.select %and3A_72, %add3A, %rem3A_65 : i32
        %mul3A_74 = arith.constant 16 : i32
        %mul3A_75 = arith.muli %select_n3A_73, %mul3A_74 : i32
        %get3A = arith.index_cast %select_n3A : i32 to index
        %get3A_76 = arith.index_cast %mul3A_75 : i32 to index
        %get3A_77 = tpu.vector_load %arg6[%get3A, %get3A_76] {strides = array<i32>} : memref<160x128xi32, #tpu.memory_space<vmem>>, vector<1x16xi32>,
        %get3A_78 = vector.shape_cast %get3A_77 : vector<1x16xi32> to vector<16xi32>
        %add3A_79 = vector.broadcast %mul3A_16 : i32 to vector<16xi32>
        %add3A_80 = arith.addi %get3A_78, %add3A_79 : vector<16xi32>
        %mul3A_81 = arith.constant 16 : i32
        %mul3A_82 = arith.muli %select_n3A_73, %mul3A_81 : i32
        %swap3A = arith.index_cast %select_n3A : i32 to index
        %swap3A_83 = arith.index_cast %mul3A_82 : i32 to index
        %swap3A_84 = tpu.vector_load %arg6[%swap3A, %swap3A_83] {strides = array<i32>} : memref<160x128xi32, #tpu.memory_space<vmem>>, vector<1x16xi32>,
        %swap3A_85 = vector.shape_cast %swap3A_84 : vector<1x16xi32> to vector<16xi32>
        %swap3A_86 = vector.shape_cast %add3A_80 : vector<16xi32> to vector<1x16xi32>
        tpu.vector_store %arg6[%swap3A, %swap3A_83], %swap3A_86 {strides = array<i32>} : memref<160x128xi32, #tpu.memory_space<vmem>>, vector<1x16xi32>,
      }
      %scan3A_43 = arith.constant 1280 : i32
    } else {
    }
    %barrier3A = arith.constant 0 : index
    tpu.barrier barrier_id(%barrier3A)
    %dma_start3A = arith.constant 0 : i32
    %dma_start3A_19 = arith.constant 0 : i32
    %dma_start3A_20 = tpu.memref_slice %arg6[%dma_start3A, %dma_start3A_19] : memref<160x128xi32, #tpu.memory_space<vmem>> -> memref<1x128xi32, #tpu.memory_space<vmem>>
    %dma_start3A_21 = tpu.memref_squeeze %dma_start3A_20 : memref<1x128xi32, #tpu.memory_space<vmem>> -> memref<128xi32, #tpu.memory_space<vmem>>
    %dma_start3A_22 = arith.constant 0 : i32
    %dma_start3A_23 = arith.constant 0 : i32
    %dma_start3A_24 = tpu.memref_slice %arg2[%dma_start3A_22, %dma_start3A_23] : memref<20480x32xf32, #tpu.memory_space<hbm>> -> memref<20480x32xf32, #tpu.memory_space<hbm>>
    tpu.enqueue_indirect_dma source(%dma_start3A_24 : memref<20480x32xf32, #tpu.memory_space<hbm>>) target(%arg8 : memref<128x32xf32, #tpu.memory_space<vmem>>) offsets(%dma_start3A_21 : memref<128xi32, #tpu.memory_space<vmem>>) semaphore(%arg11 : memref<!tpu.dma_semaphore, #tpu.memory_space<semaphore_mem>>)
    %scan3A_25 = arith.constant 0 : i32
    %scan3A_26 = arith.constant 0 : i32
    %scan3A_27 = arith.constant 80 : i32
    %scan3A_28 = arith.addi %scan3A_26, %scan3A_27 : i32
    %scan3A_29 = arith.constant 1 : i32
    scf.for %scan3A_38 = %scan3A_26 to %scan3A_28 step %scan3A_29  : i32 {
      %mul3A_39 = arith.constant 2 : i32
      %mul3A_40 = arith.muli %mul3A_39, %scan3A_38 : i32
      %add3A = arith.constant 1 : i32
      %add3A_41 = arith.addi %mul3A_40, %add3A : i32
      %dma_start3A_42 = arith.constant 0 : i32
      %dma_start3A_43 = tpu.memref_slice %arg6[%add3A_41, %dma_start3A_42] : memref<160x128xi32, #tpu.memory_space<vmem>> -> memref<1x128xi32, #tpu.memory_space<vmem>>
      %dma_start3A_44 = tpu.memref_squeeze %dma_start3A_43 : memref<1x128xi32, #tpu.memory_space<vmem>> -> memref<128xi32, #tpu.memory_space<vmem>>
      %dma_start3A_45 = arith.constant 0 : i32
      %dma_start3A_46 = arith.constant 0 : i32
      %dma_start3A_47 = tpu.memref_slice %arg2[%dma_start3A_45, %dma_start3A_46] : memref<20480x32xf32, #tpu.memory_space<hbm>> -> memref<20480x32xf32, #tpu.memory_space<hbm>>
      tpu.enqueue_indirect_dma source(%dma_start3A_47 : memref<20480x32xf32, #tpu.memory_space<hbm>>) target(%arg9 : memref<128x32xf32, #tpu.memory_space<vmem>>) offsets(%dma_start3A_44 : memref<128xi32, #tpu.memory_space<vmem>>) semaphore(%arg12 : memref<!tpu.dma_semaphore, #tpu.memory_space<semaphore_mem>>)
      %dma_wait3A = arith.constant 0 : i32
      %dma_wait3A_48 = arith.constant 0 : i32
      %dma_wait3A_49 = tpu.memref_slice %arg6[%dma_wait3A, %dma_wait3A_48] : memref<160x128xi32, #tpu.memory_space<vmem>> -> memref<1x128xi32, #tpu.memory_space<vmem>>
      %dma_wait3A_50 = tpu.memref_squeeze %dma_wait3A_49 : memref<1x128xi32, #tpu.memory_space<vmem>> -> memref<128xi32, #tpu.memory_space<vmem>>
      %dma_wait3A_51 = arith.constant 0 : i32
      %dma_wait3A_52 = arith.constant 0 : i32
      %dma_wait3A_53 = tpu.memref_slice %arg2[%dma_wait3A_51, %dma_wait3A_52] : memref<20480x32xf32, #tpu.memory_space<hbm>> -> memref<20480x32xf32, #tpu.memory_space<hbm>>
      tpu.wait_indirect_dma semaphore(%arg11 : memref<!tpu.dma_semaphore, #tpu.memory_space<semaphore_mem>>) src(%dma_wait3A_53 : memref<20480x32xf32, #tpu.memory_space<hbm>>) dst(%arg8 : memref<128x32xf32, #tpu.memory_space<vmem>>)
      "tpu.region"() ({
        %run_scoped3A = tpu.sem_alloc : memref<!tpu.dma_semaphore, #tpu.memory_space<semaphore_mem>>
        %dma_start3A_69 = arith.constant 0 : i32
        %dma_start3A_70 = tpu.memref_slice %arg7[%mul3A_40, %dma_start3A_69] : memref<160x128xi32, #tpu.memory_space<vmem>> -> memref<1x128xi32, #tpu.memory_space<vmem>>
        %dma_start3A_71 = tpu.memref_squeeze %dma_start3A_70 : memref<1x128xi32, #tpu.memory_space<vmem>> -> memref<128xi32, #tpu.memory_space<vmem>>
        %dma_start3A_72 = arith.constant 0 : i32
        %dma_start3A_73 = arith.constant 0 : i32
        %dma_start3A_74 = tpu.memref_slice %arg10[%dma_start3A_72, %dma_start3A_73] : memref<10240x32xf32, #tpu.memory_space<vmem_shared>> -> memref<10240x32xf32, #tpu.memory_space<vmem_shared>>
        tpu.enqueue_indirect_dma source(%arg8 : memref<128x32xf32, #tpu.memory_space<vmem>>) target(%dma_start3A_74 : memref<10240x32xf32, #tpu.memory_space<vmem_shared>>) offsets(%dma_start3A_71 : memref<128xi32, #tpu.memory_space<vmem>>) semaphore(%run_scoped3A : memref<!tpu.dma_semaphore, #tpu.memory_space<semaphore_mem>>) {add = true}
        %dma_wait3A_75 = arith.constant 0 : i32
        %dma_wait3A_76 = tpu.memref_slice %arg7[%mul3A_40, %dma_wait3A_75] : memref<160x128xi32, #tpu.memory_space<vmem>> -> memref<1x128xi32, #tpu.memory_space<vmem>>
        %dma_wait3A_77 = tpu.memref_squeeze %dma_wait3A_76 : memref<1x128xi32, #tpu.memory_space<vmem>> -> memref<128xi32, #tpu.memory_space<vmem>>
        %dma_wait3A_78 = arith.constant 0 : i32
        %dma_wait3A_79 = arith.constant 0 : i32
        %dma_wait3A_80 = tpu.memref_slice %arg10[%dma_wait3A_78, %dma_wait3A_79] : memref<10240x32xf32, #tpu.memory_space<vmem_shared>> -> memref<10240x32xf32, #tpu.memory_space<vmem_shared>>
        tpu.wait_indirect_dma semaphore(%run_scoped3A : memref<!tpu.dma_semaphore, #tpu.memory_space<semaphore_mem>>) src(%arg8 : memref<128x32xf32, #tpu.memory_space<vmem>>) dst(%dma_wait3A_80 : memref<10240x32xf32, #tpu.memory_space<vmem_shared>>)
        tpu.yield
      }) : () -> ()
      %add3A_54 = arith.constant 2 : i32
      %add3A_55 = arith.addi %mul3A_40, %add3A_54 : i32
      %lt3A = arith.constant 160 : i32
      %lt3A_56 = arith.cmpi slt, %add3A_55, %lt3A : i32
      %convert_element_type3A_57 = arith.extui %lt3A_56 : i1 to i32
      %cond3A_58 = arith.constant 0 : i32
      %cond3A_59 = arith.cmpi ne, %convert_element_type3A_57, %cond3A_58 : i32
      scf.if %cond3A_59 {
        %add3A_69 = arith.constant 2 : i32
        %add3A_70 = arith.addi %mul3A_40, %add3A_69 : i32
        %dma_start3A_71 = arith.constant 0 : i32
        %dma_start3A_72 = tpu.memref_slice %arg6[%add3A_70, %dma_start3A_71] : memref<160x128xi32, #tpu.memory_space<vmem>> -> memref<1x128xi32, #tpu.memory_space<vmem>>
        %dma_start3A_73 = tpu.memref_squeeze %dma_start3A_72 : memref<1x128xi32, #tpu.memory_space<vmem>> -> memref<128xi32, #tpu.memory_space<vmem>>
        %dma_start3A_74 = arith.constant 0 : i32
        %dma_start3A_75 = arith.constant 0 : i32
        %dma_start3A_76 = tpu.memref_slice %arg2[%dma_start3A_74, %dma_start3A_75] : memref<20480x32xf32, #tpu.memory_space<hbm>> -> memref<20480x32xf32, #tpu.memory_space<hbm>>
        tpu.enqueue_indirect_dma source(%dma_start3A_76 : memref<20480x32xf32, #tpu.memory_space<hbm>>) target(%arg8 : memref<128x32xf32, #tpu.memory_space<vmem>>) offsets(%dma_start3A_73 : memref<128xi32, #tpu.memory_space<vmem>>) semaphore(%arg11 : memref<!tpu.dma_semaphore, #tpu.memory_space<semaphore_mem>>)
      } else {
      }
      %dma_wait3A_60 = arith.constant 0 : i32
      %dma_wait3A_61 = arith.constant 0 : i32
      %dma_wait3A_62 = tpu.memref_slice %arg6[%dma_wait3A_60, %dma_wait3A_61] : memref<160x128xi32, #tpu.memory_space<vmem>> -> memref<1x128xi32, #tpu.memory_space<vmem>>
      %dma_wait3A_63 = tpu.memref_squeeze %dma_wait3A_62 : memref<1x128xi32, #tpu.memory_space<vmem>> -> memref<128xi32, #tpu.memory_space<vmem>>
      %dma_wait3A_64 = arith.constant 0 : i32
      %dma_wait3A_65 = arith.constant 0 : i32
      %dma_wait3A_66 = tpu.memref_slice %arg2[%dma_wait3A_64, %dma_wait3A_65] : memref<20480x32xf32, #tpu.memory_space<hbm>> -> memref<20480x32xf32, #tpu.memory_space<hbm>>
      tpu.wait_indirect_dma semaphore(%arg12 : memref<!tpu.dma_semaphore, #tpu.memory_space<semaphore_mem>>) src(%dma_wait3A_66 : memref<20480x32xf32, #tpu.memory_space<hbm>>) dst(%arg9 : memref<128x32xf32, #tpu.memory_space<vmem>>)
      %add3A_67 = arith.constant 1 : i32
      %add3A_68 = arith.addi %mul3A_40, %add3A_67 : i32
      "tpu.region"() ({
        %run_scoped3A = tpu.sem_alloc : memref<!tpu.dma_semaphore, #tpu.memory_space<semaphore_mem>>
        %dma_start3A_69 = arith.constant 0 : i32
        %dma_start3A_70 = tpu.memref_slice %arg7[%add3A_68, %dma_start3A_69] : memref<160x128xi32, #tpu.memory_space<vmem>> -> memref<1x128xi32, #tpu.memory_space<vmem>>
        %dma_start3A_71 = tpu.memref_squeeze %dma_start3A_70 : memref<1x128xi32, #tpu.memory_space<vmem>> -> memref<128xi32, #tpu.memory_space<vmem>>
        %dma_start3A_72 = arith.constant 0 : i32
        %dma_start3A_73 = arith.constant 0 : i32
        %dma_start3A_74 = tpu.memref_slice %arg10[%dma_start3A_72, %dma_start3A_73] : memref<10240x32xf32, #tpu.memory_space<vmem_shared>> -> memref<10240x32xf32, #tpu.memory_space<vmem_shared>>
        tpu.enqueue_indirect_dma source(%arg9 : memref<128x32xf32, #tpu.memory_space<vmem>>) target(%dma_start3A_74 : memref<10240x32xf32, #tpu.memory_space<vmem_shared>>) offsets(%dma_start3A_71 : memref<128xi32, #tpu.memory_space<vmem>>) semaphore(%run_scoped3A : memref<!tpu.dma_semaphore, #tpu.memory_space<semaphore_mem>>) {add = true}
        %dma_wait3A_75 = arith.constant 0 : i32
        %dma_wait3A_76 = tpu.memref_slice %arg7[%add3A_68, %dma_wait3A_75] : memref<160x128xi32, #tpu.memory_space<vmem>> -> memref<1x128xi32, #tpu.memory_space<vmem>>
        %dma_wait3A_77 = tpu.memref_squeeze %dma_wait3A_76 : memref<1x128xi32, #tpu.memory_space<vmem>> -> memref<128xi32, #tpu.memory_space<vmem>>
        %dma_wait3A_78 = arith.constant 0 : i32
        %dma_wait3A_79 = arith.constant 0 : i32
        %dma_wait3A_80 = tpu.memref_slice %arg10[%dma_wait3A_78, %dma_wait3A_79] : memref<10240x32xf32, #tpu.memory_space<vmem_shared>> -> memref<10240x32xf32, #tpu.memory_space<vmem_shared>>
        tpu.wait_indirect_dma semaphore(%run_scoped3A : memref<!tpu.dma_semaphore, #tpu.memory_space<semaphore_mem>>) src(%arg9 : memref<128x32xf32, #tpu.memory_space<vmem>>) dst(%dma_wait3A_80 : memref<10240x32xf32, #tpu.memory_space<vmem_shared>>)
        tpu.yield
      }) : () -> ()
    }
    %scan3A_30 = arith.constant 80 : i32
    %barrier3A_31 = arith.constant 0 : index
    tpu.barrier barrier_id(%barrier3A_31)
    %scan3A_32 = arith.constant 0 : i32
    %scan3A_33 = arith.constant 0 : i32
    %scan3A_34 = arith.constant 5 : i32
    %scan3A_35 = arith.addi %scan3A_33, %scan3A_34 : i32
    %scan3A_36 = arith.constant 1 : i32
    scf.for %scan3A_38 = %scan3A_33 to %scan3A_35 step %scan3A_36  : i32 {
      %mul3A_39 = arith.constant 640 : i32
      %mul3A_40 = arith.muli %arg1, %mul3A_39 : i32
      %mul3A_41 = arith.constant 128 : i32
      %mul3A_42 = arith.muli %scan3A_38, %mul3A_41 : i32
      %add3A = arith.addi %mul3A_40, %mul3A_42 : i32
      "tpu.region"() ({
        %run_scoped3A = tpu.sem_alloc : memref<!tpu.dma_semaphore, #tpu.memory_space<semaphore_mem>>
        %dma_start3A_43 = arith.constant 0 : i32
        %dma_start3A_44 = tpu.memref_slice %arg10[%add3A, %dma_start3A_43] : memref<10240x32xf32, #tpu.memory_space<vmem_shared>> -> memref<128x32xf32, #tpu.memory_space<vmem_shared>>
        %dma_start3A_45 = arith.constant 0 : i32
        %dma_start3A_46 = tpu.memref_slice %arg10[%add3A, %dma_start3A_45] : memref<10240x32xf32, #tpu.memory_space<vmem_shared>> -> memref<128x32xf32, #tpu.memory_space<vmem_shared>>
        tpu.enqueue_dma source(%dma_start3A_46 : memref<128x32xf32, #tpu.memory_space<vmem_shared>>) target(%arg8 : memref<128x32xf32, #tpu.memory_space<vmem>>) target_semaphore(%run_scoped3A : memref<!tpu.dma_semaphore, #tpu.memory_space<semaphore_mem>>)
        %dma_wait3A = arith.constant 0 : i32
        %dma_wait3A_47 = tpu.memref_slice %arg10[%add3A, %dma_wait3A] : memref<10240x32xf32, #tpu.memory_space<vmem_shared>> -> memref<128x32xf32, #tpu.memory_space<vmem_shared>>
        %dma_wait3A_48 = arith.constant 0 : i32
        %dma_wait3A_49 = tpu.memref_slice %arg10[%add3A, %dma_wait3A_48] : memref<10240x32xf32, #tpu.memory_space<vmem_shared>> -> memref<128x32xf32, #tpu.memory_space<vmem_shared>>
        tpu.wait_dma2 semaphore(%run_scoped3A : memref<!tpu.dma_semaphore, #tpu.memory_space<semaphore_mem>>) src(%dma_wait3A_49 : memref<128x32xf32, #tpu.memory_space<vmem_shared>>) dst(%arg8 : memref<128x32xf32, #tpu.memory_space<vmem>>)
        tpu.yield
      }) : () -> ()
      "tpu.region"() ({
        %run_scoped3A = tpu.sem_alloc : memref<!tpu.dma_semaphore, #tpu.memory_space<semaphore_mem>>
        %dma_start3A_43 = arith.constant 0 : i32
        %dma_start3A_44 = tpu.memref_slice %arg5[%arg0, %add3A, %dma_start3A_43] : memref<2x10240x32xf32, #tpu.memory_space<hbm>> -> memref<1x128x32xf32, #tpu.memory_space<hbm>>
        %dma_start3A_45 = tpu.memref_squeeze %dma_start3A_44 : memref<1x128x32xf32, #tpu.memory_space<hbm>> -> memref<128x32xf32, #tpu.memory_space<hbm>>
        %dma_start3A_46 = arith.constant 0 : i32
        %dma_start3A_47 = tpu.memref_slice %arg5[%arg0, %add3A, %dma_start3A_46] : memref<2x10240x32xf32, #tpu.memory_space<hbm>> -> memref<1x128x32xf32, #tpu.memory_space<hbm>>
        %dma_start3A_48 = tpu.memref_squeeze %dma_start3A_47 : memref<1x128x32xf32, #tpu.memory_space<hbm>> -> memref<128x32xf32, #tpu.memory_space<hbm>>
        tpu.enqueue_dma source(%arg8 : memref<128x32xf32, #tpu.memory_space<vmem>>) target(%dma_start3A_48 : memref<128x32xf32, #tpu.memory_space<hbm>>) target_semaphore(%run_scoped3A : memref<!tpu.dma_semaphore, #tpu.memory_space<semaphore_mem>>)
        %dma_wait3A = arith.constant 0 : i32
        %dma_wait3A_49 = tpu.memref_slice %arg5[%arg0, %add3A, %dma_wait3A] : memref<2x10240x32xf32, #tpu.memory_space<hbm>> -> memref<1x128x32xf32, #tpu.memory_space<hbm>>
        %dma_wait3A_50 = tpu.memref_squeeze %dma_wait3A_49 : memref<1x128x32xf32, #tpu.memory_space<hbm>> -> memref<128x32xf32, #tpu.memory_space<hbm>>
        %dma_wait3A_51 = arith.constant 0 : i32
        %dma_wait3A_52 = tpu.memref_slice %arg5[%arg0, %add3A, %dma_wait3A_51] : memref<2x10240x32xf32, #tpu.memory_space<hbm>> -> memref<1x128x32xf32, #tpu.memory_space<hbm>>
        %dma_wait3A_53 = tpu.memref_squeeze %dma_wait3A_52 : memref<1x128x32xf32, #tpu.memory_space<hbm>> -> memref<128x32xf32, #tpu.memory_space<hbm>>
        tpu.wait_dma2 semaphore(%run_scoped3A : memref<!tpu.dma_semaphore, #tpu.memory_space<semaphore_mem>>) src(%arg8 : memref<128x32xf32, #tpu.memory_space<vmem>>) dst(%dma_wait3A_53 : memref<128x32xf32, #tpu.memory_space<hbm>>)
        tpu.yield
      }) : () -> ()
    }
    %scan3A_37 = arith.constant 5 : i32
    return
  }
}

#map = affine_map<(d0, d1) -> (0, 0)>
#map1 = affine_map<(d0, d1) -> (0, 0, 0)>
module attributes {stable_mosaic.version = 14 : i64} {
  func.func @_emb_deg_body(%arg0: i32, %arg1: i32, %arg2: memref<1280x128xi32, #tpu.memory_space<hbm>>, %arg3: memref<16000x8xf32, #tpu.memory_space<hbm>>, %arg4: memref<2560x128xi32, #tpu.memory_space<hbm>>, %arg5: memref<163840x8xf32, #tpu.memory_space<hbm>>, %arg6: memref<2x10240x16xf32, #tpu.memory_space<hbm>>, %arg7: memref<640x16xf32, #tpu.memory_space<vmem>>, %arg8: memref<128x16xf32, #tpu.memory_space<vmem>>, %arg9: memref<80x128xi32, #tpu.memory_space<vmem>>, %arg10: memref<40x128xi32, #tpu.memory_space<vmem>>, %arg11: memref<128x8xf32, #tpu.memory_space<vmem>>, %arg12: memref<128x8xf32, #tpu.memory_space<vmem>>, %arg13: memref<10240x16xf32, #tpu.memory_space<vmem_shared>>, %arg14: memref<!tpu.dma_semaphore, #tpu.memory_space<semaphore_mem>>, %arg15: memref<!tpu.dma_semaphore, #tpu.memory_space<semaphore_mem>>, %arg16: memref<!tpu.dma_semaphore, #tpu.memory_space<semaphore_mem>>, %arg17: memref<!tpu.dma_semaphore, #tpu.memory_space<semaphore_mem>>) attributes {dimension_semantics = [#tpu.dimension_semantics<core_parallel>, #tpu.dimension_semantics<subcore_parallel>], iteration_bounds = array<i64: 2, 16>, scalar_prefetch = 0 : i64, scratch_operands = 11 : i64, tpu.core_type = #tpu.core_type<sc_vector_subcore>, window_params = [{transform_indices = #map}, {transform_indices = #map}, {transform_indices = #map}, {transform_indices = #map}, {transform_indices = #map1}]} {
    %mul3A = arith.constant 16 : i32
    %mul3A_0 = arith.muli %arg0, %mul3A : i32
    %add3A = arith.addi %mul3A_0, %arg1 : i32
    %broadcast_in_dim3A = arith.constant 0.000000e+00 : f32
    %broadcast_in_dim3A_1 = vector.broadcast %broadcast_in_dim3A : f32 to vector<16xf32>
    %scan3A = arith.constant 0 : i32
    %scan3A_2 = arith.constant 0 : i32
    %scan3A_3 = arith.constant 640 : i32
    %scan3A_4 = arith.addi %scan3A_2, %scan3A_3 : i32
    %scan3A_5 = arith.constant 1 : i32
    scf.for %scan3A_60 = %scan3A_2 to %scan3A_4 step %scan3A_5  : i32 {
      %jit3A = arith.constant 1 : i32
      %div3A = arith.divsi %scan3A_60, %jit3A : i32
      %sign3A = arith.constant 0 : i32
      %sign3A_61 = arith.cmpi sgt, %scan3A_60, %sign3A : i32
      %sign3A_62 = arith.extui %sign3A_61 : i1 to i32
      %sign3A_63 = arith.constant 0 : i32
      %sign3A_64 = arith.cmpi slt, %scan3A_60, %sign3A_63 : i32
      %sign3A_65 = arith.extui %sign3A_64 : i1 to i32
      %sign3A_66 = arith.subi %sign3A_62, %sign3A_65 : i32
      %sign3A_67 = arith.constant 0 : i32
      %sign3A_68 = arith.cmpi sgt, %jit3A, %sign3A_67 : i32
      %sign3A_69 = arith.extui %sign3A_68 : i1 to i32
      %sign3A_70 = arith.constant 0 : i32
      %sign3A_71 = arith.cmpi slt, %jit3A, %sign3A_70 : i32
      %sign3A_72 = arith.extui %sign3A_71 : i1 to i32
      %sign3A_73 = arith.subi %sign3A_69, %sign3A_72 : i32
      %ne3A = arith.cmpi ne, %sign3A_66, %sign3A_73 : i32
      %rem3A = arith.remsi %scan3A_60, %jit3A : i32
      %ne3A_74 = arith.constant 0 : i32
      %ne3A_75 = arith.cmpi ne, %rem3A, %ne3A_74 : i32
      %and3A = arith.andi %ne3A, %ne3A_75 : i1
      %sub3A = arith.constant 1 : i32
      %sub3A_76 = arith.subi %div3A, %sub3A : i32
      %select_n3A = arith.select %and3A, %sub3A_76, %div3A : i32
      %jit3A_77 = arith.constant 1 : i32
      %eq3A = arith.constant 0 : i32
      %eq3A_78 = arith.cmpi eq, %jit3A_77, %eq3A : i32
      %jit3A_79 = arith.constant 1 : i32
      %select_n3A_80 = arith.select %eq3A_78, %jit3A_79, %jit3A_77 : i32
      %rem3A_81 = arith.remsi %scan3A_60, %select_n3A_80 : i32
      %ne3A_82 = arith.constant 0 : i32
      %ne3A_83 = arith.cmpi ne, %rem3A_81, %ne3A_82 : i32
      %lt3A = arith.constant 0 : i32
      %lt3A_84 = arith.cmpi slt, %rem3A_81, %lt3A : i32
      %lt3A_85 = arith.constant 0 : i32
      %lt3A_86 = arith.cmpi slt, %select_n3A_80, %lt3A_85 : i32
      %ne3A_87 = arith.xori %lt3A_84, %lt3A_86 : i1
      %and3A_88 = arith.andi %ne3A_87, %ne3A_83 : i1
      %add3A_89 = arith.addi %rem3A_81, %select_n3A_80 : i32
      %select_n3A_90 = arith.select %and3A_88, %add3A_89, %rem3A_81 : i32
      %mul3A_91 = arith.constant 16 : i32
      %mul3A_92 = arith.muli %select_n3A_90, %mul3A_91 : i32
      %swap3A = arith.index_cast %select_n3A : i32 to index
      %swap3A_93 = arith.index_cast %mul3A_92 : i32 to index
      %swap3A_94 = tpu.vector_load %arg7[%swap3A, %swap3A_93] {strides = array<i32>} : memref<640x16xf32, #tpu.memory_space<vmem>>, vector<1x16xf32>,
      %swap3A_95 = vector.shape_cast %swap3A_94 : vector<1x16xf32> to vector<16xf32>
      %swap3A_96 = vector.shape_cast %broadcast_in_dim3A_1 : vector<16xf32> to vector<1x16xf32>
      tpu.vector_store %arg7[%swap3A, %swap3A_93], %swap3A_96 {strides = array<i32>} : memref<640x16xf32, #tpu.memory_space<vmem>>, vector<1x16xf32>,
    }
    %scan3A_6 = arith.constant 640 : i32
    %mul3A_7 = arith.constant 640 : i32
    %mul3A_8 = arith.muli %arg1, %mul3A_7 : i32
    "tpu.region"() ({
      %run_scoped3A = tpu.sem_alloc : memref<!tpu.dma_semaphore, #tpu.memory_space<semaphore_mem>>
      %dma_start3A_60 = arith.constant 0 : i32
      %dma_start3A_61 = tpu.memref_slice %arg13[%mul3A_8, %dma_start3A_60] : memref<10240x16xf32, #tpu.memory_space<vmem_shared>> -> memref<640x16xf32, #tpu.memory_space<vmem_shared>>
      %dma_start3A_62 = arith.constant 0 : i32
      %dma_start3A_63 = tpu.memref_slice %arg13[%mul3A_8, %dma_start3A_62] : memref<10240x16xf32, #tpu.memory_space<vmem_shared>> -> memref<640x16xf32, #tpu.memory_space<vmem_shared>>
      tpu.enqueue_dma source(%arg7 : memref<640x16xf32, #tpu.memory_space<vmem>>) target(%dma_start3A_63 : memref<640x16xf32, #tpu.memory_space<vmem_shared>>) target_semaphore(%run_scoped3A : memref<!tpu.dma_semaphore, #tpu.memory_space<semaphore_mem>>)
      %dma_wait3A_64 = arith.constant 0 : i32
      %dma_wait3A_65 = tpu.memref_slice %arg13[%mul3A_8, %dma_wait3A_64] : memref<10240x16xf32, #tpu.memory_space<vmem_shared>> -> memref<640x16xf32, #tpu.memory_space<vmem_shared>>
      %dma_wait3A_66 = arith.constant 0 : i32
      %dma_wait3A_67 = tpu.memref_slice %arg13[%mul3A_8, %dma_wait3A_66] : memref<10240x16xf32, #tpu.memory_space<vmem_shared>> -> memref<640x16xf32, #tpu.memory_space<vmem_shared>>
      tpu.wait_dma2 semaphore(%run_scoped3A : memref<!tpu.dma_semaphore, #tpu.memory_space<semaphore_mem>>) src(%arg7 : memref<640x16xf32, #tpu.memory_space<vmem>>) dst(%dma_wait3A_67 : memref<640x16xf32, #tpu.memory_space<vmem_shared>>)
      tpu.yield
    }) : () -> ()
    %broadcast_in_dim3A_9 = arith.constant 1.000000e+00 : f32
    %broadcast_in_dim3A_10 = vector.broadcast %broadcast_in_dim3A_9 : f32 to vector<16xf32>
    %scan3A_11 = arith.constant 0 : i32
    %scan3A_12 = arith.constant 0 : i32
    %scan3A_13 = arith.constant 128 : i32
    %scan3A_14 = arith.addi %scan3A_12, %scan3A_13 : i32
    %scan3A_15 = arith.constant 1 : i32
    scf.for %scan3A_60 = %scan3A_12 to %scan3A_14 step %scan3A_15  : i32 {
      %jit3A = arith.constant 1 : i32
      %div3A = arith.divsi %scan3A_60, %jit3A : i32
      %sign3A = arith.constant 0 : i32
      %sign3A_61 = arith.cmpi sgt, %scan3A_60, %sign3A : i32
      %sign3A_62 = arith.extui %sign3A_61 : i1 to i32
      %sign3A_63 = arith.constant 0 : i32
      %sign3A_64 = arith.cmpi slt, %scan3A_60, %sign3A_63 : i32
      %sign3A_65 = arith.extui %sign3A_64 : i1 to i32
      %sign3A_66 = arith.subi %sign3A_62, %sign3A_65 : i32
      %sign3A_67 = arith.constant 0 : i32
      %sign3A_68 = arith.cmpi sgt, %jit3A, %sign3A_67 : i32
      %sign3A_69 = arith.extui %sign3A_68 : i1 to i32
      %sign3A_70 = arith.constant 0 : i32
      %sign3A_71 = arith.cmpi slt, %jit3A, %sign3A_70 : i32
      %sign3A_72 = arith.extui %sign3A_71 : i1 to i32
      %sign3A_73 = arith.subi %sign3A_69, %sign3A_72 : i32
      %ne3A = arith.cmpi ne, %sign3A_66, %sign3A_73 : i32
      %rem3A = arith.remsi %scan3A_60, %jit3A : i32
      %ne3A_74 = arith.constant 0 : i32
      %ne3A_75 = arith.cmpi ne, %rem3A, %ne3A_74 : i32
      %and3A = arith.andi %ne3A, %ne3A_75 : i1
      %sub3A = arith.constant 1 : i32
      %sub3A_76 = arith.subi %div3A, %sub3A : i32
      %select_n3A = arith.select %and3A, %sub3A_76, %div3A : i32
      %jit3A_77 = arith.constant 1 : i32
      %eq3A = arith.constant 0 : i32
      %eq3A_78 = arith.cmpi eq, %jit3A_77, %eq3A : i32
      %jit3A_79 = arith.constant 1 : i32
      %select_n3A_80 = arith.select %eq3A_78, %jit3A_79, %jit3A_77 : i32
      %rem3A_81 = arith.remsi %scan3A_60, %select_n3A_80 : i32
      %ne3A_82 = arith.constant 0 : i32
      %ne3A_83 = arith.cmpi ne, %rem3A_81, %ne3A_82 : i32
      %lt3A = arith.constant 0 : i32
      %lt3A_84 = arith.cmpi slt, %rem3A_81, %lt3A : i32
      %lt3A_85 = arith.constant 0 : i32
      %lt3A_86 = arith.cmpi slt, %select_n3A_80, %lt3A_85 : i32
      %ne3A_87 = arith.xori %lt3A_84, %lt3A_86 : i1
      %and3A_88 = arith.andi %ne3A_87, %ne3A_83 : i1
      %add3A_89 = arith.addi %rem3A_81, %select_n3A_80 : i32
      %select_n3A_90 = arith.select %and3A_88, %add3A_89, %rem3A_81 : i32
      %mul3A_91 = arith.constant 16 : i32
      %mul3A_92 = arith.muli %select_n3A_90, %mul3A_91 : i32
      %swap3A = arith.index_cast %select_n3A : i32 to index
      %swap3A_93 = arith.index_cast %mul3A_92 : i32 to index
      %swap3A_94 = tpu.vector_load %arg8[%swap3A, %swap3A_93] {strides = array<i32>} : memref<128x16xf32, #tpu.memory_space<vmem>>, vector<1x16xf32>,
      %swap3A_95 = vector.shape_cast %swap3A_94 : vector<1x16xf32> to vector<16xf32>
      %swap3A_96 = vector.shape_cast %broadcast_in_dim3A_10 : vector<16xf32> to vector<1x16xf32>
      tpu.vector_store %arg8[%swap3A, %swap3A_93], %swap3A_96 {strides = array<i32>} : memref<128x16xf32, #tpu.memory_space<vmem>>, vector<1x16xf32>,
    }
    %scan3A_16 = arith.constant 128 : i32
    %mul3A_17 = arith.constant 80 : i32
    %mul3A_18 = arith.muli %add3A, %mul3A_17 : i32
    "tpu.region"() ({
      %run_scoped3A = tpu.sem_alloc : memref<!tpu.dma_semaphore, #tpu.memory_space<semaphore_mem>>
      %dma_start3A_60 = arith.constant 0 : i32
      %dma_start3A_61 = tpu.memref_slice %arg4[%mul3A_18, %dma_start3A_60] : memref<2560x128xi32, #tpu.memory_space<hbm>> -> memref<80x128xi32, #tpu.memory_space<hbm>>
      %dma_start3A_62 = arith.constant 0 : i32
      %dma_start3A_63 = tpu.memref_slice %arg4[%mul3A_18, %dma_start3A_62] : memref<2560x128xi32, #tpu.memory_space<hbm>> -> memref<80x128xi32, #tpu.memory_space<hbm>>
      tpu.enqueue_dma source(%dma_start3A_63 : memref<80x128xi32, #tpu.memory_space<hbm>>) target(%arg9 : memref<80x128xi32, #tpu.memory_space<vmem>>) target_semaphore(%run_scoped3A : memref<!tpu.dma_semaphore, #tpu.memory_space<semaphore_mem>>)
      %dma_wait3A_64 = arith.constant 0 : i32
      %dma_wait3A_65 = tpu.memref_slice %arg4[%mul3A_18, %dma_wait3A_64] : memref<2560x128xi32, #tpu.memory_space<hbm>> -> memref<80x128xi32, #tpu.memory_space<hbm>>
      %dma_wait3A_66 = arith.constant 0 : i32
      %dma_wait3A_67 = tpu.memref_slice %arg4[%mul3A_18, %dma_wait3A_66] : memref<2560x128xi32, #tpu.memory_space<hbm>> -> memref<80x128xi32, #tpu.memory_space<hbm>>
      tpu.wait_dma2 semaphore(%run_scoped3A : memref<!tpu.dma_semaphore, #tpu.memory_space<semaphore_mem>>) src(%dma_wait3A_67 : memref<80x128xi32, #tpu.memory_space<hbm>>) dst(%arg9 : memref<80x128xi32, #tpu.memory_space<vmem>>)
      tpu.yield
    }) : () -> ()
    %mul3A_19 = arith.constant 40 : i32
    %mul3A_20 = arith.muli %add3A, %mul3A_19 : i32
    "tpu.region"() ({
      %run_scoped3A = tpu.sem_alloc : memref<!tpu.dma_semaphore, #tpu.memory_space<semaphore_mem>>
      %dma_start3A_60 = arith.constant 0 : i32
      %dma_start3A_61 = tpu.memref_slice %arg2[%mul3A_20, %dma_start3A_60] : memref<1280x128xi32, #tpu.memory_space<hbm>> -> memref<40x128xi32, #tpu.memory_space<hbm>>
      %dma_start3A_62 = arith.constant 0 : i32
      %dma_start3A_63 = tpu.memref_slice %arg2[%mul3A_20, %dma_start3A_62] : memref<1280x128xi32, #tpu.memory_space<hbm>> -> memref<40x128xi32, #tpu.memory_space<hbm>>
      tpu.enqueue_dma source(%dma_start3A_63 : memref<40x128xi32, #tpu.memory_space<hbm>>) target(%arg10 : memref<40x128xi32, #tpu.memory_space<vmem>>) target_semaphore(%run_scoped3A : memref<!tpu.dma_semaphore, #tpu.memory_space<semaphore_mem>>)
      %dma_wait3A_64 = arith.constant 0 : i32
      %dma_wait3A_65 = tpu.memref_slice %arg2[%mul3A_20, %dma_wait3A_64] : memref<1280x128xi32, #tpu.memory_space<hbm>> -> memref<40x128xi32, #tpu.memory_space<hbm>>
      %dma_wait3A_66 = arith.constant 0 : i32
      %dma_wait3A_67 = tpu.memref_slice %arg2[%mul3A_20, %dma_wait3A_66] : memref<1280x128xi32, #tpu.memory_space<hbm>> -> memref<40x128xi32, #tpu.memory_space<hbm>>
      tpu.wait_dma2 semaphore(%run_scoped3A : memref<!tpu.dma_semaphore, #tpu.memory_space<semaphore_mem>>) src(%dma_wait3A_67 : memref<40x128xi32, #tpu.memory_space<hbm>>) dst(%arg10 : memref<40x128xi32, #tpu.memory_space<vmem>>)
      tpu.yield
    }) : () -> ()
    %barrier3A = arith.constant 0 : index
    tpu.barrier barrier_id(%barrier3A)
    %scan3A_21 = arith.constant 0 : i32
    %scan3A_22 = arith.constant 0 : i32
    %scan3A_23 = arith.constant 40 : i32
    %scan3A_24 = arith.addi %scan3A_22, %scan3A_23 : i32
    %scan3A_25 = arith.constant 1 : i32
    scf.for %scan3A_60 = %scan3A_22 to %scan3A_24 step %scan3A_25  : i32 {
      %mul3A_61 = arith.constant 2 : i32
      %mul3A_62 = arith.muli %mul3A_61, %scan3A_60 : i32
      %dma_start3A_63 = arith.constant 0 : i32
      %dma_start3A_64 = tpu.memref_slice %arg9[%mul3A_62, %dma_start3A_63] : memref<80x128xi32, #tpu.memory_space<vmem>> -> memref<1x128xi32, #tpu.memory_space<vmem>>
      %dma_start3A_65 = tpu.memref_squeeze %dma_start3A_64 : memref<1x128xi32, #tpu.memory_space<vmem>> -> memref<128xi32, #tpu.memory_space<vmem>>
      %dma_start3A_66 = arith.constant 0 : i32
      %dma_start3A_67 = arith.constant 0 : i32
      %dma_start3A_68 = tpu.memref_slice %arg13[%dma_start3A_66, %dma_start3A_67] : memref<10240x16xf32, #tpu.memory_space<vmem_shared>> -> memref<10240x16xf32, #tpu.memory_space<vmem_shared>>
      tpu.enqueue_indirect_dma source(%arg8 : memref<128x16xf32, #tpu.memory_space<vmem>>) target(%dma_start3A_68 : memref<10240x16xf32, #tpu.memory_space<vmem_shared>>) offsets(%dma_start3A_65 : memref<128xi32, #tpu.memory_space<vmem>>) semaphore(%arg16 : memref<!tpu.dma_semaphore, #tpu.memory_space<semaphore_mem>>) {add = true}
      %add3A_69 = arith.constant 1 : i32
      %add3A_70 = arith.addi %mul3A_62, %add3A_69 : i32
      %dma_start3A_71 = arith.constant 0 : i32
      %dma_start3A_72 = tpu.memref_slice %arg9[%add3A_70, %dma_start3A_71] : memref<80x128xi32, #tpu.memory_space<vmem>> -> memref<1x128xi32, #tpu.memory_space<vmem>>
      %dma_start3A_73 = tpu.memref_squeeze %dma_start3A_72 : memref<1x128xi32, #tpu.memory_space<vmem>> -> memref<128xi32, #tpu.memory_space<vmem>>
      %dma_start3A_74 = arith.constant 0 : i32
      %dma_start3A_75 = arith.constant 0 : i32
      %dma_start3A_76 = tpu.memref_slice %arg13[%dma_start3A_74, %dma_start3A_75] : memref<10240x16xf32, #tpu.memory_space<vmem_shared>> -> memref<10240x16xf32, #tpu.memory_space<vmem_shared>>
      tpu.enqueue_indirect_dma source(%arg8 : memref<128x16xf32, #tpu.memory_space<vmem>>) target(%dma_start3A_76 : memref<10240x16xf32, #tpu.memory_space<vmem_shared>>) offsets(%dma_start3A_73 : memref<128xi32, #tpu.memory_space<vmem>>) semaphore(%arg17 : memref<!tpu.dma_semaphore, #tpu.memory_space<semaphore_mem>>) {add = true}
      %dma_wait3A_77 = arith.constant 0 : i32
      %dma_wait3A_78 = arith.constant 0 : i32
      %dma_wait3A_79 = tpu.memref_slice %arg9[%dma_wait3A_77, %dma_wait3A_78] : memref<80x128xi32, #tpu.memory_space<vmem>> -> memref<1x128xi32, #tpu.memory_space<vmem>>
      %dma_wait3A_80 = tpu.memref_squeeze %dma_wait3A_79 : memref<1x128xi32, #tpu.memory_space<vmem>> -> memref<128xi32, #tpu.memory_space<vmem>>
      %dma_wait3A_81 = arith.constant 0 : i32
      %dma_wait3A_82 = arith.constant 0 : i32
      %dma_wait3A_83 = tpu.memref_slice %arg13[%dma_wait3A_81, %dma_wait3A_82] : memref<10240x16xf32, #tpu.memory_space<vmem_shared>> -> memref<10240x16xf32, #tpu.memory_space<vmem_shared>>
      tpu.wait_indirect_dma semaphore(%arg16 : memref<!tpu.dma_semaphore, #tpu.memory_space<semaphore_mem>>) src(%arg8 : memref<128x16xf32, #tpu.memory_space<vmem>>) dst(%dma_wait3A_83 : memref<10240x16xf32, #tpu.memory_space<vmem_shared>>)
      %dma_wait3A_84 = arith.constant 0 : i32
      %dma_wait3A_85 = arith.constant 0 : i32
      %dma_wait3A_86 = tpu.memref_slice %arg9[%dma_wait3A_84, %dma_wait3A_85] : memref<80x128xi32, #tpu.memory_space<vmem>> -> memref<1x128xi32, #tpu.memory_space<vmem>>
      %dma_wait3A_87 = tpu.memref_squeeze %dma_wait3A_86 : memref<1x128xi32, #tpu.memory_space<vmem>> -> memref<128xi32, #tpu.memory_space<vmem>>
      %dma_wait3A_88 = arith.constant 0 : i32
      %dma_wait3A_89 = arith.constant 0 : i32
      %dma_wait3A_90 = tpu.memref_slice %arg13[%dma_wait3A_88, %dma_wait3A_89] : memref<10240x16xf32, #tpu.memory_space<vmem_shared>> -> memref<10240x16xf32, #tpu.memory_space<vmem_shared>>
      tpu.wait_indirect_dma semaphore(%arg17 : memref<!tpu.dma_semaphore, #tpu.memory_space<semaphore_mem>>) src(%arg8 : memref<128x16xf32, #tpu.memory_space<vmem>>) dst(%dma_wait3A_90 : memref<10240x16xf32, #tpu.memory_space<vmem_shared>>)
    }
    %scan3A_26 = arith.constant 40 : i32
    %mul3A_27 = arith.constant 5120 : i32
    %mul3A_28 = arith.muli %add3A, %mul3A_27 : i32
    %dma_start3A = arith.constant 0 : i32
    %dma_start3A_29 = arith.constant 0 : i32
    %dma_start3A_30 = tpu.memref_slice %arg10[%dma_start3A, %dma_start3A_29] : memref<40x128xi32, #tpu.memory_space<vmem>> -> memref<1x128xi32, #tpu.memory_space<vmem>>
    %dma_start3A_31 = tpu.memref_squeeze %dma_start3A_30 : memref<1x128xi32, #tpu.memory_space<vmem>> -> memref<128xi32, #tpu.memory_space<vmem>>
    %dma_start3A_32 = arith.constant 0 : i32
    %dma_start3A_33 = arith.constant 0 : i32
    %dma_start3A_34 = tpu.memref_slice %arg3[%dma_start3A_32, %dma_start3A_33] : memref<16000x8xf32, #tpu.memory_space<hbm>> -> memref<16000x8xf32, #tpu.memory_space<hbm>>
    tpu.enqueue_indirect_dma source(%dma_start3A_34 : memref<16000x8xf32, #tpu.memory_space<hbm>>) target(%arg11 : memref<128x8xf32, #tpu.memory_space<vmem>>) offsets(%dma_start3A_31 : memref<128xi32, #tpu.memory_space<vmem>>) semaphore(%arg14 : memref<!tpu.dma_semaphore, #tpu.memory_space<semaphore_mem>>)
    %dma_start3A_35 = arith.constant 1 : i32
    %dma_start3A_36 = arith.constant 0 : i32
    %dma_start3A_37 = tpu.memref_slice %arg10[%dma_start3A_35, %dma_start3A_36] : memref<40x128xi32, #tpu.memory_space<vmem>> -> memref<1x128xi32, #tpu.memory_space<vmem>>
    %dma_start3A_38 = tpu.memref_squeeze %dma_start3A_37 : memref<1x128xi32, #tpu.memory_space<vmem>> -> memref<128xi32, #tpu.memory_space<vmem>>
    %dma_start3A_39 = arith.constant 0 : i32
    %dma_start3A_40 = arith.constant 0 : i32
    %dma_start3A_41 = tpu.memref_slice %arg3[%dma_start3A_39, %dma_start3A_40] : memref<16000x8xf32, #tpu.memory_space<hbm>> -> memref<16000x8xf32, #tpu.memory_space<hbm>>
    tpu.enqueue_indirect_dma source(%dma_start3A_41 : memref<16000x8xf32, #tpu.memory_space<hbm>>) target(%arg12 : memref<128x8xf32, #tpu.memory_space<vmem>>) offsets(%dma_start3A_38 : memref<128xi32, #tpu.memory_space<vmem>>) semaphore(%arg15 : memref<!tpu.dma_semaphore, #tpu.memory_space<semaphore_mem>>)
    %scan3A_42 = arith.constant 0 : i32
    %scan3A_43 = arith.constant 0 : i32
    %scan3A_44 = arith.constant 20 : i32
    %scan3A_45 = arith.addi %scan3A_43, %scan3A_44 : i32
    %scan3A_46 = arith.constant 1 : i32
    scf.for %scan3A_60 = %scan3A_43 to %scan3A_45 step %scan3A_46  : i32 {
      %mul3A_61 = arith.constant 2 : i32
      %mul3A_62 = arith.muli %mul3A_61, %scan3A_60 : i32
      %dma_wait3A_63 = arith.constant 0 : i32
      %dma_wait3A_64 = arith.constant 0 : i32
      %dma_wait3A_65 = tpu.memref_slice %arg10[%dma_wait3A_63, %dma_wait3A_64] : memref<40x128xi32, #tpu.memory_space<vmem>> -> memref<1x128xi32, #tpu.memory_space<vmem>>
      %dma_wait3A_66 = tpu.memref_squeeze %dma_wait3A_65 : memref<1x128xi32, #tpu.memory_space<vmem>> -> memref<128xi32, #tpu.memory_space<vmem>>
      %dma_wait3A_67 = arith.constant 0 : i32
      %dma_wait3A_68 = arith.constant 0 : i32
      %dma_wait3A_69 = tpu.memref_slice %arg3[%dma_wait3A_67, %dma_wait3A_68] : memref<16000x8xf32, #tpu.memory_space<hbm>> -> memref<16000x8xf32, #tpu.memory_space<hbm>>
      tpu.wait_indirect_dma semaphore(%arg14 : memref<!tpu.dma_semaphore, #tpu.memory_space<semaphore_mem>>) src(%dma_wait3A_69 : memref<16000x8xf32, #tpu.memory_space<hbm>>) dst(%arg11 : memref<128x8xf32, #tpu.memory_space<vmem>>)
      %mul3A_70 = arith.constant 128 : i32
      %mul3A_71 = arith.muli %mul3A_62, %mul3A_70 : i32
      %add3A_72 = arith.addi %mul3A_28, %mul3A_71 : i32
      %dma_start3A_73 = arith.constant 0 : i32
      %dma_start3A_74 = tpu.memref_slice %arg5[%add3A_72, %dma_start3A_73] : memref<163840x8xf32, #tpu.memory_space<hbm>> -> memref<128x8xf32, #tpu.memory_space<hbm>>
      %dma_start3A_75 = arith.constant 0 : i32
      %dma_start3A_76 = tpu.memref_slice %arg5[%add3A_72, %dma_start3A_75] : memref<163840x8xf32, #tpu.memory_space<hbm>> -> memref<128x8xf32, #tpu.memory_space<hbm>>
      tpu.enqueue_dma source(%arg11 : memref<128x8xf32, #tpu.memory_space<vmem>>) target(%dma_start3A_76 : memref<128x8xf32, #tpu.memory_space<hbm>>) target_semaphore(%arg16 : memref<!tpu.dma_semaphore, #tpu.memory_space<semaphore_mem>>)
      %dma_wait3A_77 = arith.constant 0 : i32
      %dma_wait3A_78 = arith.constant 0 : i32
      %dma_wait3A_79 = tpu.memref_slice %arg10[%dma_wait3A_77, %dma_wait3A_78] : memref<40x128xi32, #tpu.memory_space<vmem>> -> memref<1x128xi32, #tpu.memory_space<vmem>>
      %dma_wait3A_80 = tpu.memref_squeeze %dma_wait3A_79 : memref<1x128xi32, #tpu.memory_space<vmem>> -> memref<128xi32, #tpu.memory_space<vmem>>
      %dma_wait3A_81 = arith.constant 0 : i32
      %dma_wait3A_82 = arith.constant 0 : i32
      %dma_wait3A_83 = tpu.memref_slice %arg3[%dma_wait3A_81, %dma_wait3A_82] : memref<16000x8xf32, #tpu.memory_space<hbm>> -> memref<16000x8xf32, #tpu.memory_space<hbm>>
      tpu.wait_indirect_dma semaphore(%arg15 : memref<!tpu.dma_semaphore, #tpu.memory_space<semaphore_mem>>) src(%dma_wait3A_83 : memref<16000x8xf32, #tpu.memory_space<hbm>>) dst(%arg12 : memref<128x8xf32, #tpu.memory_space<vmem>>)
      %add3A_84 = arith.constant 1 : i32
      %add3A_85 = arith.addi %mul3A_62, %add3A_84 : i32
      %mul3A_86 = arith.constant 128 : i32
      %mul3A_87 = arith.muli %add3A_85, %mul3A_86 : i32
      %add3A_88 = arith.addi %mul3A_28, %mul3A_87 : i32
      %dma_start3A_89 = arith.constant 0 : i32
      %dma_start3A_90 = tpu.memref_slice %arg5[%add3A_88, %dma_start3A_89] : memref<163840x8xf32, #tpu.memory_space<hbm>> -> memref<128x8xf32, #tpu.memory_space<hbm>>
      %dma_start3A_91 = arith.constant 0 : i32
      %dma_start3A_92 = tpu.memref_slice %arg5[%add3A_88, %dma_start3A_91] : memref<163840x8xf32, #tpu.memory_space<hbm>> -> memref<128x8xf32, #tpu.memory_space<hbm>>
      tpu.enqueue_dma source(%arg12 : memref<128x8xf32, #tpu.memory_space<vmem>>) target(%dma_start3A_92 : memref<128x8xf32, #tpu.memory_space<hbm>>) target_semaphore(%arg17 : memref<!tpu.dma_semaphore, #tpu.memory_space<semaphore_mem>>)
      %add3A_93 = arith.constant 2 : i32
      %add3A_94 = arith.addi %mul3A_62, %add3A_93 : i32
      %lt3A = arith.constant 40 : i32
      %lt3A_95 = arith.cmpi slt, %add3A_94, %lt3A : i32
      %convert_element_type3A = arith.extui %lt3A_95 : i1 to i32
      %cond3A = arith.constant 0 : i32
      %cond3A_96 = arith.cmpi ne, %convert_element_type3A, %cond3A : i32
      scf.if %cond3A_96 {
        %dma_wait3A_104 = arith.constant 0 : i32
        %dma_wait3A_105 = tpu.memref_slice %arg5[%mul3A_28, %dma_wait3A_104] : memref<163840x8xf32, #tpu.memory_space<hbm>> -> memref<128x8xf32, #tpu.memory_space<hbm>>
        %dma_wait3A_106 = arith.constant 0 : i32
        %dma_wait3A_107 = tpu.memref_slice %arg5[%mul3A_28, %dma_wait3A_106] : memref<163840x8xf32, #tpu.memory_space<hbm>> -> memref<128x8xf32, #tpu.memory_space<hbm>>
        tpu.wait_dma2 semaphore(%arg16 : memref<!tpu.dma_semaphore, #tpu.memory_space<semaphore_mem>>) src(%arg11 : memref<128x8xf32, #tpu.memory_space<vmem>>) dst(%dma_wait3A_107 : memref<128x8xf32, #tpu.memory_space<hbm>>)
        %add3A_108 = arith.constant 2 : i32
        %add3A_109 = arith.addi %mul3A_62, %add3A_108 : i32
        %dma_start3A_110 = arith.constant 0 : i32
        %dma_start3A_111 = tpu.memref_slice %arg10[%add3A_109, %dma_start3A_110] : memref<40x128xi32, #tpu.memory_space<vmem>> -> memref<1x128xi32, #tpu.memory_space<vmem>>
        %dma_start3A_112 = tpu.memref_squeeze %dma_start3A_111 : memref<1x128xi32, #tpu.memory_space<vmem>> -> memref<128xi32, #tpu.memory_space<vmem>>
        %dma_start3A_113 = arith.constant 0 : i32
        %dma_start3A_114 = arith.constant 0 : i32
        %dma_start3A_115 = tpu.memref_slice %arg3[%dma_start3A_113, %dma_start3A_114] : memref<16000x8xf32, #tpu.memory_space<hbm>> -> memref<16000x8xf32, #tpu.memory_space<hbm>>
        tpu.enqueue_indirect_dma source(%dma_start3A_115 : memref<16000x8xf32, #tpu.memory_space<hbm>>) target(%arg11 : memref<128x8xf32, #tpu.memory_space<vmem>>) offsets(%dma_start3A_112 : memref<128xi32, #tpu.memory_space<vmem>>) semaphore(%arg14 : memref<!tpu.dma_semaphore, #tpu.memory_space<semaphore_mem>>)
      } else {
      }
      %add3A_97 = arith.constant 3 : i32
      %add3A_98 = arith.addi %mul3A_62, %add3A_97 : i32
      %lt3A_99 = arith.constant 40 : i32
      %lt3A_100 = arith.cmpi slt, %add3A_98, %lt3A_99 : i32
      %convert_element_type3A_101 = arith.extui %lt3A_100 : i1 to i32
      %cond3A_102 = arith.constant 0 : i32
      %cond3A_103 = arith.cmpi ne, %convert_element_type3A_101, %cond3A_102 : i32
      scf.if %cond3A_103 {
        %dma_wait3A_104 = arith.constant 0 : i32
        %dma_wait3A_105 = tpu.memref_slice %arg5[%mul3A_28, %dma_wait3A_104] : memref<163840x8xf32, #tpu.memory_space<hbm>> -> memref<128x8xf32, #tpu.memory_space<hbm>>
        %dma_wait3A_106 = arith.constant 0 : i32
        %dma_wait3A_107 = tpu.memref_slice %arg5[%mul3A_28, %dma_wait3A_106] : memref<163840x8xf32, #tpu.memory_space<hbm>> -> memref<128x8xf32, #tpu.memory_space<hbm>>
        tpu.wait_dma2 semaphore(%arg17 : memref<!tpu.dma_semaphore, #tpu.memory_space<semaphore_mem>>) src(%arg12 : memref<128x8xf32, #tpu.memory_space<vmem>>) dst(%dma_wait3A_107 : memref<128x8xf32, #tpu.memory_space<hbm>>)
        %add3A_108 = arith.constant 3 : i32
        %add3A_109 = arith.addi %mul3A_62, %add3A_108 : i32
        %dma_start3A_110 = arith.constant 0 : i32
        %dma_start3A_111 = tpu.memref_slice %arg10[%add3A_109, %dma_start3A_110] : memref<40x128xi32, #tpu.memory_space<vmem>> -> memref<1x128xi32, #tpu.memory_space<vmem>>
        %dma_start3A_112 = tpu.memref_squeeze %dma_start3A_111 : memref<1x128xi32, #tpu.memory_space<vmem>> -> memref<128xi32, #tpu.memory_space<vmem>>
        %dma_start3A_113 = arith.constant 0 : i32
        %dma_start3A_114 = arith.constant 0 : i32
        %dma_start3A_115 = tpu.memref_slice %arg3[%dma_start3A_113, %dma_start3A_114] : memref<16000x8xf32, #tpu.memory_space<hbm>> -> memref<16000x8xf32, #tpu.memory_space<hbm>>
        tpu.enqueue_indirect_dma source(%dma_start3A_115 : memref<16000x8xf32, #tpu.memory_space<hbm>>) target(%arg12 : memref<128x8xf32, #tpu.memory_space<vmem>>) offsets(%dma_start3A_112 : memref<128xi32, #tpu.memory_space<vmem>>) semaphore(%arg15 : memref<!tpu.dma_semaphore, #tpu.memory_space<semaphore_mem>>)
      } else {
      }
    }
    %scan3A_47 = arith.constant 20 : i32
    %dma_wait3A = arith.constant 0 : i32
    %dma_wait3A_48 = tpu.memref_slice %arg5[%mul3A_28, %dma_wait3A] : memref<163840x8xf32, #tpu.memory_space<hbm>> -> memref<128x8xf32, #tpu.memory_space<hbm>>
    %dma_wait3A_49 = arith.constant 0 : i32
    %dma_wait3A_50 = tpu.memref_slice %arg5[%mul3A_28, %dma_wait3A_49] : memref<163840x8xf32, #tpu.memory_space<hbm>> -> memref<128x8xf32, #tpu.memory_space<hbm>>
    tpu.wait_dma2 semaphore(%arg16 : memref<!tpu.dma_semaphore, #tpu.memory_space<semaphore_mem>>) src(%arg11 : memref<128x8xf32, #tpu.memory_space<vmem>>) dst(%dma_wait3A_50 : memref<128x8xf32, #tpu.memory_space<hbm>>)
    %dma_wait3A_51 = arith.constant 0 : i32
    %dma_wait3A_52 = tpu.memref_slice %arg5[%mul3A_28, %dma_wait3A_51] : memref<163840x8xf32, #tpu.memory_space<hbm>> -> memref<128x8xf32, #tpu.memory_space<hbm>>
    %dma_wait3A_53 = arith.constant 0 : i32
    %dma_wait3A_54 = tpu.memref_slice %arg5[%mul3A_28, %dma_wait3A_53] : memref<163840x8xf32, #tpu.memory_space<hbm>> -> memref<128x8xf32, #tpu.memory_space<hbm>>
    tpu.wait_dma2 semaphore(%arg17 : memref<!tpu.dma_semaphore, #tpu.memory_space<semaphore_mem>>) src(%arg12 : memref<128x8xf32, #tpu.memory_space<vmem>>) dst(%dma_wait3A_54 : memref<128x8xf32, #tpu.memory_space<hbm>>)
    %barrier3A_55 = arith.constant 0 : index
    tpu.barrier barrier_id(%barrier3A_55)
    %mul3A_56 = arith.constant 640 : i32
    %mul3A_57 = arith.muli %arg1, %mul3A_56 : i32
    "tpu.region"() ({
      %run_scoped3A = tpu.sem_alloc : memref<!tpu.dma_semaphore, #tpu.memory_space<semaphore_mem>>
      %dma_start3A_60 = arith.constant 0 : i32
      %dma_start3A_61 = tpu.memref_slice %arg13[%mul3A_57, %dma_start3A_60] : memref<10240x16xf32, #tpu.memory_space<vmem_shared>> -> memref<640x16xf32, #tpu.memory_space<vmem_shared>>
      %dma_start3A_62 = arith.constant 0 : i32
      %dma_start3A_63 = tpu.memref_slice %arg13[%mul3A_57, %dma_start3A_62] : memref<10240x16xf32, #tpu.memory_space<vmem_shared>> -> memref<640x16xf32, #tpu.memory_space<vmem_shared>>
      tpu.enqueue_dma source(%dma_start3A_63 : memref<640x16xf32, #tpu.memory_space<vmem_shared>>) target(%arg7 : memref<640x16xf32, #tpu.memory_space<vmem>>) target_semaphore(%run_scoped3A : memref<!tpu.dma_semaphore, #tpu.memory_space<semaphore_mem>>)
      %dma_wait3A_64 = arith.constant 0 : i32
      %dma_wait3A_65 = tpu.memref_slice %arg13[%mul3A_57, %dma_wait3A_64] : memref<10240x16xf32, #tpu.memory_space<vmem_shared>> -> memref<640x16xf32, #tpu.memory_space<vmem_shared>>
      %dma_wait3A_66 = arith.constant 0 : i32
      %dma_wait3A_67 = tpu.memref_slice %arg13[%mul3A_57, %dma_wait3A_66] : memref<10240x16xf32, #tpu.memory_space<vmem_shared>> -> memref<640x16xf32, #tpu.memory_space<vmem_shared>>
      tpu.wait_dma2 semaphore(%run_scoped3A : memref<!tpu.dma_semaphore, #tpu.memory_space<semaphore_mem>>) src(%dma_wait3A_67 : memref<640x16xf32, #tpu.memory_space<vmem_shared>>) dst(%arg7 : memref<640x16xf32, #tpu.memory_space<vmem>>)
      tpu.yield
    }) : () -> ()
    %mul3A_58 = arith.constant 640 : i32
    %mul3A_59 = arith.muli %arg1, %mul3A_58 : i32
    "tpu.region"() ({
      %run_scoped3A = tpu.sem_alloc : memref<!tpu.dma_semaphore, #tpu.memory_space<semaphore_mem>>
      %dma_start3A_60 = arith.constant 0 : i32
      %dma_start3A_61 = tpu.memref_slice %arg6[%arg0, %mul3A_59, %dma_start3A_60] : memref<2x10240x16xf32, #tpu.memory_space<hbm>> -> memref<1x640x16xf32, #tpu.memory_space<hbm>>
      %dma_start3A_62 = tpu.memref_squeeze %dma_start3A_61 : memref<1x640x16xf32, #tpu.memory_space<hbm>> -> memref<640x16xf32, #tpu.memory_space<hbm>>
      %dma_start3A_63 = arith.constant 0 : i32
      %dma_start3A_64 = tpu.memref_slice %arg6[%arg0, %mul3A_59, %dma_start3A_63] : memref<2x10240x16xf32, #tpu.memory_space<hbm>> -> memref<1x640x16xf32, #tpu.memory_space<hbm>>
      %dma_start3A_65 = tpu.memref_squeeze %dma_start3A_64 : memref<1x640x16xf32, #tpu.memory_space<hbm>> -> memref<640x16xf32, #tpu.memory_space<hbm>>
      tpu.enqueue_dma source(%arg7 : memref<640x16xf32, #tpu.memory_space<vmem>>) target(%dma_start3A_65 : memref<640x16xf32, #tpu.memory_space<hbm>>) target_semaphore(%run_scoped3A : memref<!tpu.dma_semaphore, #tpu.memory_space<semaphore_mem>>)
      %dma_wait3A_66 = arith.constant 0 : i32
      %dma_wait3A_67 = tpu.memref_slice %arg6[%arg0, %mul3A_59, %dma_wait3A_66] : memref<2x10240x16xf32, #tpu.memory_space<hbm>> -> memref<1x640x16xf32, #tpu.memory_space<hbm>>
      %dma_wait3A_68 = tpu.memref_squeeze %dma_wait3A_67 : memref<1x640x16xf32, #tpu.memory_space<hbm>> -> memref<640x16xf32, #tpu.memory_space<hbm>>
      %dma_wait3A_69 = arith.constant 0 : i32
      %dma_wait3A_70 = tpu.memref_slice %arg6[%arg0, %mul3A_59, %dma_wait3A_69] : memref<2x10240x16xf32, #tpu.memory_space<hbm>> -> memref<1x640x16xf32, #tpu.memory_space<hbm>>
      %dma_wait3A_71 = tpu.memref_squeeze %dma_wait3A_70 : memref<1x640x16xf32, #tpu.memory_space<hbm>> -> memref<640x16xf32, #tpu.memory_space<hbm>>
      tpu.wait_dma2 semaphore(%run_scoped3A : memref<!tpu.dma_semaphore, #tpu.memory_space<semaphore_mem>>) src(%arg7 : memref<640x16xf32, #tpu.memory_space<vmem>>) dst(%dma_wait3A_71 : memref<640x16xf32, #tpu.memory_space<hbm>>)
      tpu.yield
    }) : () -> ()
    return
  }
}

#map = affine_map<(d0, d1) -> (0, 0)>
#map1 = affine_map<(d0, d1) -> (0, 0, 0)>
module attributes {stable_mosaic.version = 14 : i64} {
  func.func @_scatter_body(%arg0: i32, %arg1: i32, %arg2: memref<20480x64xf32, #tpu.memory_space<hbm>>, %arg3: memref<2560x128xi32, #tpu.memory_space<hbm>>, %arg4: memref<2560x128xi32, #tpu.memory_space<hbm>>, %arg5: memref<2x10240x64xf32, #tpu.memory_space<hbm>>, %arg6: memref<160x128xi32, #tpu.memory_space<vmem>>, %arg7: memref<160x128xi32, #tpu.memory_space<vmem>>, %arg8: memref<128x64xf32, #tpu.memory_space<vmem>>, %arg9: memref<128x64xf32, #tpu.memory_space<vmem>>, %arg10: memref<10240x64xf32, #tpu.memory_space<vmem_shared>>, %arg11: memref<!tpu.dma_semaphore, #tpu.memory_space<semaphore_mem>>, %arg12: memref<!tpu.dma_semaphore, #tpu.memory_space<semaphore_mem>>) attributes {dimension_semantics = [#tpu.dimension_semantics<core_parallel>, #tpu.dimension_semantics<subcore_parallel>], iteration_bounds = array<i64: 2, 16>, scalar_prefetch = 0 : i64, scratch_operands = 7 : i64, tpu.core_type = #tpu.core_type<sc_vector_subcore>, window_params = [{transform_indices = #map}, {transform_indices = #map}, {transform_indices = #map}, {transform_indices = #map1}]} {
    %broadcast_in_dim3A = arith.constant 0.000000e+00 : f32
    %broadcast_in_dim3A_0 = vector.broadcast %broadcast_in_dim3A : f32 to vector<16xf32>
    %scan3A = arith.constant 0 : i32
    %scan3A_1 = arith.constant 0 : i32
    %scan3A_2 = arith.constant 512 : i32
    %scan3A_3 = arith.addi %scan3A_1, %scan3A_2 : i32
    %scan3A_4 = arith.constant 1 : i32
    scf.for %scan3A_38 = %scan3A_1 to %scan3A_3 step %scan3A_4  : i32 {
      %jit3A = arith.constant 4 : i32
      %div3A = arith.divsi %scan3A_38, %jit3A : i32
      %sign3A = arith.constant 0 : i32
      %sign3A_39 = arith.cmpi sgt, %scan3A_38, %sign3A : i32
      %sign3A_40 = arith.extui %sign3A_39 : i1 to i32
      %sign3A_41 = arith.constant 0 : i32
      %sign3A_42 = arith.cmpi slt, %scan3A_38, %sign3A_41 : i32
      %sign3A_43 = arith.extui %sign3A_42 : i1 to i32
      %sign3A_44 = arith.subi %sign3A_40, %sign3A_43 : i32
      %sign3A_45 = arith.constant 0 : i32
      %sign3A_46 = arith.cmpi sgt, %jit3A, %sign3A_45 : i32
      %sign3A_47 = arith.extui %sign3A_46 : i1 to i32
      %sign3A_48 = arith.constant 0 : i32
      %sign3A_49 = arith.cmpi slt, %jit3A, %sign3A_48 : i32
      %sign3A_50 = arith.extui %sign3A_49 : i1 to i32
      %sign3A_51 = arith.subi %sign3A_47, %sign3A_50 : i32
      %ne3A = arith.cmpi ne, %sign3A_44, %sign3A_51 : i32
      %rem3A = arith.remsi %scan3A_38, %jit3A : i32
      %ne3A_52 = arith.constant 0 : i32
      %ne3A_53 = arith.cmpi ne, %rem3A, %ne3A_52 : i32
      %and3A = arith.andi %ne3A, %ne3A_53 : i1
      %sub3A = arith.constant 1 : i32
      %sub3A_54 = arith.subi %div3A, %sub3A : i32
      %select_n3A = arith.select %and3A, %sub3A_54, %div3A : i32
      %jit3A_55 = arith.constant 4 : i32
      %eq3A = arith.constant 0 : i32
      %eq3A_56 = arith.cmpi eq, %jit3A_55, %eq3A : i32
      %jit3A_57 = arith.constant 1 : i32
      %select_n3A_58 = arith.select %eq3A_56, %jit3A_57, %jit3A_55 : i32
      %rem3A_59 = arith.remsi %scan3A_38, %select_n3A_58 : i32
      %ne3A_60 = arith.constant 0 : i32
      %ne3A_61 = arith.cmpi ne, %rem3A_59, %ne3A_60 : i32
      %lt3A = arith.constant 0 : i32
      %lt3A_62 = arith.cmpi slt, %rem3A_59, %lt3A : i32
      %lt3A_63 = arith.constant 0 : i32
      %lt3A_64 = arith.cmpi slt, %select_n3A_58, %lt3A_63 : i32
      %ne3A_65 = arith.xori %lt3A_62, %lt3A_64 : i1
      %and3A_66 = arith.andi %ne3A_65, %ne3A_61 : i1
      %add3A = arith.addi %rem3A_59, %select_n3A_58 : i32
      %select_n3A_67 = arith.select %and3A_66, %add3A, %rem3A_59 : i32
      %mul3A_68 = arith.constant 16 : i32
      %mul3A_69 = arith.muli %select_n3A_67, %mul3A_68 : i32
      %swap3A = arith.index_cast %select_n3A : i32 to index
      %swap3A_70 = arith.index_cast %mul3A_69 : i32 to index
      %swap3A_71 = tpu.vector_load %arg8[%swap3A, %swap3A_70] {strides = array<i32>} : memref<128x64xf32, #tpu.memory_space<vmem>>, vector<1x16xf32>,
      %swap3A_72 = vector.shape_cast %swap3A_71 : vector<1x16xf32> to vector<16xf32>
      %swap3A_73 = vector.shape_cast %broadcast_in_dim3A_0 : vector<16xf32> to vector<1x16xf32>
      tpu.vector_store %arg8[%swap3A, %swap3A_70], %swap3A_73 {strides = array<i32>} : memref<128x64xf32, #tpu.memory_space<vmem>>, vector<1x16xf32>,
    }
    %scan3A_5 = arith.constant 512 : i32
    %scan3A_6 = arith.constant 0 : i32
    %scan3A_7 = arith.constant 0 : i32
    %scan3A_8 = arith.constant 5 : i32
    %scan3A_9 = arith.addi %scan3A_7, %scan3A_8 : i32
    %scan3A_10 = arith.constant 1 : i32
    scf.for %scan3A_38 = %scan3A_7 to %scan3A_9 step %scan3A_10  : i32 {
      %mul3A_39 = arith.constant 640 : i32
      %mul3A_40 = arith.muli %arg1, %mul3A_39 : i32
      %mul3A_41 = arith.constant 128 : i32
      %mul3A_42 = arith.muli %scan3A_38, %mul3A_41 : i32
      %add3A = arith.addi %mul3A_40, %mul3A_42 : i32
      "tpu.region"() ({
        %run_scoped3A = tpu.sem_alloc : memref<!tpu.dma_semaphore, #tpu.memory_space<semaphore_mem>>
        %dma_start3A_43 = arith.constant 0 : i32
        %dma_start3A_44 = tpu.memref_slice %arg10[%add3A, %dma_start3A_43] : memref<10240x64xf32, #tpu.memory_space<vmem_shared>> -> memref<128x64xf32, #tpu.memory_space<vmem_shared>>
        %dma_start3A_45 = arith.constant 0 : i32
        %dma_start3A_46 = tpu.memref_slice %arg10[%add3A, %dma_start3A_45] : memref<10240x64xf32, #tpu.memory_space<vmem_shared>> -> memref<128x64xf32, #tpu.memory_space<vmem_shared>>
        tpu.enqueue_dma source(%arg8 : memref<128x64xf32, #tpu.memory_space<vmem>>) target(%dma_start3A_46 : memref<128x64xf32, #tpu.memory_space<vmem_shared>>) target_semaphore(%run_scoped3A : memref<!tpu.dma_semaphore, #tpu.memory_space<semaphore_mem>>)
        %dma_wait3A = arith.constant 0 : i32
        %dma_wait3A_47 = tpu.memref_slice %arg10[%add3A, %dma_wait3A] : memref<10240x64xf32, #tpu.memory_space<vmem_shared>> -> memref<128x64xf32, #tpu.memory_space<vmem_shared>>
        %dma_wait3A_48 = arith.constant 0 : i32
        %dma_wait3A_49 = tpu.memref_slice %arg10[%add3A, %dma_wait3A_48] : memref<10240x64xf32, #tpu.memory_space<vmem_shared>> -> memref<128x64xf32, #tpu.memory_space<vmem_shared>>
        tpu.wait_dma2 semaphore(%run_scoped3A : memref<!tpu.dma_semaphore, #tpu.memory_space<semaphore_mem>>) src(%arg8 : memref<128x64xf32, #tpu.memory_space<vmem>>) dst(%dma_wait3A_49 : memref<128x64xf32, #tpu.memory_space<vmem_shared>>)
        tpu.yield
      }) : () -> ()
    }
    %scan3A_11 = arith.constant 5 : i32
    %mul3A = arith.constant 160 : i32
    %mul3A_12 = arith.muli %arg1, %mul3A : i32
    "tpu.region"() ({
      %run_scoped3A = tpu.sem_alloc : memref<!tpu.dma_semaphore, #tpu.memory_space<semaphore_mem>>
      %dma_start3A_38 = arith.constant 0 : i32
      %dma_start3A_39 = tpu.memref_slice %arg3[%mul3A_12, %dma_start3A_38] : memref<2560x128xi32, #tpu.memory_space<hbm>> -> memref<160x128xi32, #tpu.memory_space<hbm>>
      %dma_start3A_40 = arith.constant 0 : i32
      %dma_start3A_41 = tpu.memref_slice %arg3[%mul3A_12, %dma_start3A_40] : memref<2560x128xi32, #tpu.memory_space<hbm>> -> memref<160x128xi32, #tpu.memory_space<hbm>>
      tpu.enqueue_dma source(%dma_start3A_41 : memref<160x128xi32, #tpu.memory_space<hbm>>) target(%arg6 : memref<160x128xi32, #tpu.memory_space<vmem>>) target_semaphore(%run_scoped3A : memref<!tpu.dma_semaphore, #tpu.memory_space<semaphore_mem>>)
      %dma_wait3A = arith.constant 0 : i32
      %dma_wait3A_42 = tpu.memref_slice %arg3[%mul3A_12, %dma_wait3A] : memref<2560x128xi32, #tpu.memory_space<hbm>> -> memref<160x128xi32, #tpu.memory_space<hbm>>
      %dma_wait3A_43 = arith.constant 0 : i32
      %dma_wait3A_44 = tpu.memref_slice %arg3[%mul3A_12, %dma_wait3A_43] : memref<2560x128xi32, #tpu.memory_space<hbm>> -> memref<160x128xi32, #tpu.memory_space<hbm>>
      tpu.wait_dma2 semaphore(%run_scoped3A : memref<!tpu.dma_semaphore, #tpu.memory_space<semaphore_mem>>) src(%dma_wait3A_44 : memref<160x128xi32, #tpu.memory_space<hbm>>) dst(%arg6 : memref<160x128xi32, #tpu.memory_space<vmem>>)
      tpu.yield
    }) : () -> ()
    %mul3A_13 = arith.constant 160 : i32
    %mul3A_14 = arith.muli %arg1, %mul3A_13 : i32
    "tpu.region"() ({
      %run_scoped3A = tpu.sem_alloc : memref<!tpu.dma_semaphore, #tpu.memory_space<semaphore_mem>>
      %dma_start3A_38 = arith.constant 0 : i32
      %dma_start3A_39 = tpu.memref_slice %arg4[%mul3A_14, %dma_start3A_38] : memref<2560x128xi32, #tpu.memory_space<hbm>> -> memref<160x128xi32, #tpu.memory_space<hbm>>
      %dma_start3A_40 = arith.constant 0 : i32
      %dma_start3A_41 = tpu.memref_slice %arg4[%mul3A_14, %dma_start3A_40] : memref<2560x128xi32, #tpu.memory_space<hbm>> -> memref<160x128xi32, #tpu.memory_space<hbm>>
      tpu.enqueue_dma source(%dma_start3A_41 : memref<160x128xi32, #tpu.memory_space<hbm>>) target(%arg7 : memref<160x128xi32, #tpu.memory_space<vmem>>) target_semaphore(%run_scoped3A : memref<!tpu.dma_semaphore, #tpu.memory_space<semaphore_mem>>)
      %dma_wait3A = arith.constant 0 : i32
      %dma_wait3A_42 = tpu.memref_slice %arg4[%mul3A_14, %dma_wait3A] : memref<2560x128xi32, #tpu.memory_space<hbm>> -> memref<160x128xi32, #tpu.memory_space<hbm>>
      %dma_wait3A_43 = arith.constant 0 : i32
      %dma_wait3A_44 = tpu.memref_slice %arg4[%mul3A_14, %dma_wait3A_43] : memref<2560x128xi32, #tpu.memory_space<hbm>> -> memref<160x128xi32, #tpu.memory_space<hbm>>
      tpu.wait_dma2 semaphore(%run_scoped3A : memref<!tpu.dma_semaphore, #tpu.memory_space<semaphore_mem>>) src(%dma_wait3A_44 : memref<160x128xi32, #tpu.memory_space<hbm>>) dst(%arg7 : memref<160x128xi32, #tpu.memory_space<vmem>>)
      tpu.yield
    }) : () -> ()
    %mul3A_15 = arith.constant 10240 : i32
    %mul3A_16 = arith.muli %arg0, %mul3A_15 : i32
    %gt3A = arith.constant 0 : i32
    %gt3A_17 = arith.cmpi sgt, %arg0, %gt3A : i32
    %convert_element_type3A = arith.extui %gt3A_17 : i1 to i32
    %cond3A = arith.constant 0 : i32
    %cond3A_18 = arith.cmpi ne, %convert_element_type3A, %cond3A : i32
    scf.if %cond3A_18 {
      %scan3A_38 = arith.constant 0 : i32
      %scan3A_39 = arith.constant 0 : i32
      %scan3A_40 = arith.constant 1280 : i32
      %scan3A_41 = arith.addi %scan3A_39, %scan3A_40 : i32
      %scan3A_42 = arith.constant 1 : i32
      scf.for %scan3A_44 = %scan3A_39 to %scan3A_41 step %scan3A_42  : i32 {
        %jit3A = arith.constant 8 : i32
        %div3A = arith.divsi %scan3A_44, %jit3A : i32
        %sign3A = arith.constant 0 : i32
        %sign3A_45 = arith.cmpi sgt, %scan3A_44, %sign3A : i32
        %sign3A_46 = arith.extui %sign3A_45 : i1 to i32
        %sign3A_47 = arith.constant 0 : i32
        %sign3A_48 = arith.cmpi slt, %scan3A_44, %sign3A_47 : i32
        %sign3A_49 = arith.extui %sign3A_48 : i1 to i32
        %sign3A_50 = arith.subi %sign3A_46, %sign3A_49 : i32
        %sign3A_51 = arith.constant 0 : i32
        %sign3A_52 = arith.cmpi sgt, %jit3A, %sign3A_51 : i32
        %sign3A_53 = arith.extui %sign3A_52 : i1 to i32
        %sign3A_54 = arith.constant 0 : i32
        %sign3A_55 = arith.cmpi slt, %jit3A, %sign3A_54 : i32
        %sign3A_56 = arith.extui %sign3A_55 : i1 to i32
        %sign3A_57 = arith.subi %sign3A_53, %sign3A_56 : i32
        %ne3A = arith.cmpi ne, %sign3A_50, %sign3A_57 : i32
        %rem3A = arith.remsi %scan3A_44, %jit3A : i32
        %ne3A_58 = arith.constant 0 : i32
        %ne3A_59 = arith.cmpi ne, %rem3A, %ne3A_58 : i32
        %and3A = arith.andi %ne3A, %ne3A_59 : i1
        %sub3A = arith.constant 1 : i32
        %sub3A_60 = arith.subi %div3A, %sub3A : i32
        %select_n3A = arith.select %and3A, %sub3A_60, %div3A : i32
        %jit3A_61 = arith.constant 8 : i32
        %eq3A = arith.constant 0 : i32
        %eq3A_62 = arith.cmpi eq, %jit3A_61, %eq3A : i32
        %jit3A_63 = arith.constant 1 : i32
        %select_n3A_64 = arith.select %eq3A_62, %jit3A_63, %jit3A_61 : i32
        %rem3A_65 = arith.remsi %scan3A_44, %select_n3A_64 : i32
        %ne3A_66 = arith.constant 0 : i32
        %ne3A_67 = arith.cmpi ne, %rem3A_65, %ne3A_66 : i32
        %lt3A = arith.constant 0 : i32
        %lt3A_68 = arith.cmpi slt, %rem3A_65, %lt3A : i32
        %lt3A_69 = arith.constant 0 : i32
        %lt3A_70 = arith.cmpi slt, %select_n3A_64, %lt3A_69 : i32
        %ne3A_71 = arith.xori %lt3A_68, %lt3A_70 : i1
        %and3A_72 = arith.andi %ne3A_71, %ne3A_67 : i1
        %add3A = arith.addi %rem3A_65, %select_n3A_64 : i32
        %select_n3A_73 = arith.select %and3A_72, %add3A, %rem3A_65 : i32
        %mul3A_74 = arith.constant 16 : i32
        %mul3A_75 = arith.muli %select_n3A_73, %mul3A_74 : i32
        %get3A = arith.index_cast %select_n3A : i32 to index
        %get3A_76 = arith.index_cast %mul3A_75 : i32 to index
        %get3A_77 = tpu.vector_load %arg6[%get3A, %get3A_76] {strides = array<i32>} : memref<160x128xi32, #tpu.memory_space<vmem>>, vector<1x16xi32>,
        %get3A_78 = vector.shape_cast %get3A_77 : vector<1x16xi32> to vector<16xi32>
        %add3A_79 = vector.broadcast %mul3A_16 : i32 to vector<16xi32>
        %add3A_80 = arith.addi %get3A_78, %add3A_79 : vector<16xi32>
        %mul3A_81 = arith.constant 16 : i32
        %mul3A_82 = arith.muli %select_n3A_73, %mul3A_81 : i32
        %swap3A = arith.index_cast %select_n3A : i32 to index
        %swap3A_83 = arith.index_cast %mul3A_82 : i32 to index
        %swap3A_84 = tpu.vector_load %arg6[%swap3A, %swap3A_83] {strides = array<i32>} : memref<160x128xi32, #tpu.memory_space<vmem>>, vector<1x16xi32>,
        %swap3A_85 = vector.shape_cast %swap3A_84 : vector<1x16xi32> to vector<16xi32>
        %swap3A_86 = vector.shape_cast %add3A_80 : vector<16xi32> to vector<1x16xi32>
        tpu.vector_store %arg6[%swap3A, %swap3A_83], %swap3A_86 {strides = array<i32>} : memref<160x128xi32, #tpu.memory_space<vmem>>, vector<1x16xi32>,
      }
      %scan3A_43 = arith.constant 1280 : i32
    } else {
    }
    %barrier3A = arith.constant 0 : index
    tpu.barrier barrier_id(%barrier3A)
    %dma_start3A = arith.constant 0 : i32
    %dma_start3A_19 = arith.constant 0 : i32
    %dma_start3A_20 = tpu.memref_slice %arg6[%dma_start3A, %dma_start3A_19] : memref<160x128xi32, #tpu.memory_space<vmem>> -> memref<1x128xi32, #tpu.memory_space<vmem>>
    %dma_start3A_21 = tpu.memref_squeeze %dma_start3A_20 : memref<1x128xi32, #tpu.memory_space<vmem>> -> memref<128xi32, #tpu.memory_space<vmem>>
    %dma_start3A_22 = arith.constant 0 : i32
    %dma_start3A_23 = arith.constant 0 : i32
    %dma_start3A_24 = tpu.memref_slice %arg2[%dma_start3A_22, %dma_start3A_23] : memref<20480x64xf32, #tpu.memory_space<hbm>> -> memref<20480x64xf32, #tpu.memory_space<hbm>>
    tpu.enqueue_indirect_dma source(%dma_start3A_24 : memref<20480x64xf32, #tpu.memory_space<hbm>>) target(%arg8 : memref<128x64xf32, #tpu.memory_space<vmem>>) offsets(%dma_start3A_21 : memref<128xi32, #tpu.memory_space<vmem>>) semaphore(%arg11 : memref<!tpu.dma_semaphore, #tpu.memory_space<semaphore_mem>>)
    %scan3A_25 = arith.constant 0 : i32
    %scan3A_26 = arith.constant 0 : i32
    %scan3A_27 = arith.constant 80 : i32
    %scan3A_28 = arith.addi %scan3A_26, %scan3A_27 : i32
    %scan3A_29 = arith.constant 1 : i32
    scf.for %scan3A_38 = %scan3A_26 to %scan3A_28 step %scan3A_29  : i32 {
      %mul3A_39 = arith.constant 2 : i32
      %mul3A_40 = arith.muli %mul3A_39, %scan3A_38 : i32
      %add3A = arith.constant 1 : i32
      %add3A_41 = arith.addi %mul3A_40, %add3A : i32
      %dma_start3A_42 = arith.constant 0 : i32
      %dma_start3A_43 = tpu.memref_slice %arg6[%add3A_41, %dma_start3A_42] : memref<160x128xi32, #tpu.memory_space<vmem>> -> memref<1x128xi32, #tpu.memory_space<vmem>>
      %dma_start3A_44 = tpu.memref_squeeze %dma_start3A_43 : memref<1x128xi32, #tpu.memory_space<vmem>> -> memref<128xi32, #tpu.memory_space<vmem>>
      %dma_start3A_45 = arith.constant 0 : i32
      %dma_start3A_46 = arith.constant 0 : i32
      %dma_start3A_47 = tpu.memref_slice %arg2[%dma_start3A_45, %dma_start3A_46] : memref<20480x64xf32, #tpu.memory_space<hbm>> -> memref<20480x64xf32, #tpu.memory_space<hbm>>
      tpu.enqueue_indirect_dma source(%dma_start3A_47 : memref<20480x64xf32, #tpu.memory_space<hbm>>) target(%arg9 : memref<128x64xf32, #tpu.memory_space<vmem>>) offsets(%dma_start3A_44 : memref<128xi32, #tpu.memory_space<vmem>>) semaphore(%arg12 : memref<!tpu.dma_semaphore, #tpu.memory_space<semaphore_mem>>)
      %dma_wait3A = arith.constant 0 : i32
      %dma_wait3A_48 = arith.constant 0 : i32
      %dma_wait3A_49 = tpu.memref_slice %arg6[%dma_wait3A, %dma_wait3A_48] : memref<160x128xi32, #tpu.memory_space<vmem>> -> memref<1x128xi32, #tpu.memory_space<vmem>>
      %dma_wait3A_50 = tpu.memref_squeeze %dma_wait3A_49 : memref<1x128xi32, #tpu.memory_space<vmem>> -> memref<128xi32, #tpu.memory_space<vmem>>
      %dma_wait3A_51 = arith.constant 0 : i32
      %dma_wait3A_52 = arith.constant 0 : i32
      %dma_wait3A_53 = tpu.memref_slice %arg2[%dma_wait3A_51, %dma_wait3A_52] : memref<20480x64xf32, #tpu.memory_space<hbm>> -> memref<20480x64xf32, #tpu.memory_space<hbm>>
      tpu.wait_indirect_dma semaphore(%arg11 : memref<!tpu.dma_semaphore, #tpu.memory_space<semaphore_mem>>) src(%dma_wait3A_53 : memref<20480x64xf32, #tpu.memory_space<hbm>>) dst(%arg8 : memref<128x64xf32, #tpu.memory_space<vmem>>)
      "tpu.region"() ({
        %run_scoped3A = tpu.sem_alloc : memref<!tpu.dma_semaphore, #tpu.memory_space<semaphore_mem>>
        %dma_start3A_69 = arith.constant 0 : i32
        %dma_start3A_70 = tpu.memref_slice %arg7[%mul3A_40, %dma_start3A_69] : memref<160x128xi32, #tpu.memory_space<vmem>> -> memref<1x128xi32, #tpu.memory_space<vmem>>
        %dma_start3A_71 = tpu.memref_squeeze %dma_start3A_70 : memref<1x128xi32, #tpu.memory_space<vmem>> -> memref<128xi32, #tpu.memory_space<vmem>>
        %dma_start3A_72 = arith.constant 0 : i32
        %dma_start3A_73 = arith.constant 0 : i32
        %dma_start3A_74 = tpu.memref_slice %arg10[%dma_start3A_72, %dma_start3A_73] : memref<10240x64xf32, #tpu.memory_space<vmem_shared>> -> memref<10240x64xf32, #tpu.memory_space<vmem_shared>>
        tpu.enqueue_indirect_dma source(%arg8 : memref<128x64xf32, #tpu.memory_space<vmem>>) target(%dma_start3A_74 : memref<10240x64xf32, #tpu.memory_space<vmem_shared>>) offsets(%dma_start3A_71 : memref<128xi32, #tpu.memory_space<vmem>>) semaphore(%run_scoped3A : memref<!tpu.dma_semaphore, #tpu.memory_space<semaphore_mem>>) {add = true}
        %dma_wait3A_75 = arith.constant 0 : i32
        %dma_wait3A_76 = tpu.memref_slice %arg7[%mul3A_40, %dma_wait3A_75] : memref<160x128xi32, #tpu.memory_space<vmem>> -> memref<1x128xi32, #tpu.memory_space<vmem>>
        %dma_wait3A_77 = tpu.memref_squeeze %dma_wait3A_76 : memref<1x128xi32, #tpu.memory_space<vmem>> -> memref<128xi32, #tpu.memory_space<vmem>>
        %dma_wait3A_78 = arith.constant 0 : i32
        %dma_wait3A_79 = arith.constant 0 : i32
        %dma_wait3A_80 = tpu.memref_slice %arg10[%dma_wait3A_78, %dma_wait3A_79] : memref<10240x64xf32, #tpu.memory_space<vmem_shared>> -> memref<10240x64xf32, #tpu.memory_space<vmem_shared>>
        tpu.wait_indirect_dma semaphore(%run_scoped3A : memref<!tpu.dma_semaphore, #tpu.memory_space<semaphore_mem>>) src(%arg8 : memref<128x64xf32, #tpu.memory_space<vmem>>) dst(%dma_wait3A_80 : memref<10240x64xf32, #tpu.memory_space<vmem_shared>>)
        tpu.yield
      }) : () -> ()
      %add3A_54 = arith.constant 2 : i32
      %add3A_55 = arith.addi %mul3A_40, %add3A_54 : i32
      %lt3A = arith.constant 160 : i32
      %lt3A_56 = arith.cmpi slt, %add3A_55, %lt3A : i32
      %convert_element_type3A_57 = arith.extui %lt3A_56 : i1 to i32
      %cond3A_58 = arith.constant 0 : i32
      %cond3A_59 = arith.cmpi ne, %convert_element_type3A_57, %cond3A_58 : i32
      scf.if %cond3A_59 {
        %add3A_69 = arith.constant 2 : i32
        %add3A_70 = arith.addi %mul3A_40, %add3A_69 : i32
        %dma_start3A_71 = arith.constant 0 : i32
        %dma_start3A_72 = tpu.memref_slice %arg6[%add3A_70, %dma_start3A_71] : memref<160x128xi32, #tpu.memory_space<vmem>> -> memref<1x128xi32, #tpu.memory_space<vmem>>
        %dma_start3A_73 = tpu.memref_squeeze %dma_start3A_72 : memref<1x128xi32, #tpu.memory_space<vmem>> -> memref<128xi32, #tpu.memory_space<vmem>>
        %dma_start3A_74 = arith.constant 0 : i32
        %dma_start3A_75 = arith.constant 0 : i32
        %dma_start3A_76 = tpu.memref_slice %arg2[%dma_start3A_74, %dma_start3A_75] : memref<20480x64xf32, #tpu.memory_space<hbm>> -> memref<20480x64xf32, #tpu.memory_space<hbm>>
        tpu.enqueue_indirect_dma source(%dma_start3A_76 : memref<20480x64xf32, #tpu.memory_space<hbm>>) target(%arg8 : memref<128x64xf32, #tpu.memory_space<vmem>>) offsets(%dma_start3A_73 : memref<128xi32, #tpu.memory_space<vmem>>) semaphore(%arg11 : memref<!tpu.dma_semaphore, #tpu.memory_space<semaphore_mem>>)
      } else {
      }
      %dma_wait3A_60 = arith.constant 0 : i32
      %dma_wait3A_61 = arith.constant 0 : i32
      %dma_wait3A_62 = tpu.memref_slice %arg6[%dma_wait3A_60, %dma_wait3A_61] : memref<160x128xi32, #tpu.memory_space<vmem>> -> memref<1x128xi32, #tpu.memory_space<vmem>>
      %dma_wait3A_63 = tpu.memref_squeeze %dma_wait3A_62 : memref<1x128xi32, #tpu.memory_space<vmem>> -> memref<128xi32, #tpu.memory_space<vmem>>
      %dma_wait3A_64 = arith.constant 0 : i32
      %dma_wait3A_65 = arith.constant 0 : i32
      %dma_wait3A_66 = tpu.memref_slice %arg2[%dma_wait3A_64, %dma_wait3A_65] : memref<20480x64xf32, #tpu.memory_space<hbm>> -> memref<20480x64xf32, #tpu.memory_space<hbm>>
      tpu.wait_indirect_dma semaphore(%arg12 : memref<!tpu.dma_semaphore, #tpu.memory_space<semaphore_mem>>) src(%dma_wait3A_66 : memref<20480x64xf32, #tpu.memory_space<hbm>>) dst(%arg9 : memref<128x64xf32, #tpu.memory_space<vmem>>)
      %add3A_67 = arith.constant 1 : i32
      %add3A_68 = arith.addi %mul3A_40, %add3A_67 : i32
      "tpu.region"() ({
        %run_scoped3A = tpu.sem_alloc : memref<!tpu.dma_semaphore, #tpu.memory_space<semaphore_mem>>
        %dma_start3A_69 = arith.constant 0 : i32
        %dma_start3A_70 = tpu.memref_slice %arg7[%add3A_68, %dma_start3A_69] : memref<160x128xi32, #tpu.memory_space<vmem>> -> memref<1x128xi32, #tpu.memory_space<vmem>>
        %dma_start3A_71 = tpu.memref_squeeze %dma_start3A_70 : memref<1x128xi32, #tpu.memory_space<vmem>> -> memref<128xi32, #tpu.memory_space<vmem>>
        %dma_start3A_72 = arith.constant 0 : i32
        %dma_start3A_73 = arith.constant 0 : i32
        %dma_start3A_74 = tpu.memref_slice %arg10[%dma_start3A_72, %dma_start3A_73] : memref<10240x64xf32, #tpu.memory_space<vmem_shared>> -> memref<10240x64xf32, #tpu.memory_space<vmem_shared>>
        tpu.enqueue_indirect_dma source(%arg9 : memref<128x64xf32, #tpu.memory_space<vmem>>) target(%dma_start3A_74 : memref<10240x64xf32, #tpu.memory_space<vmem_shared>>) offsets(%dma_start3A_71 : memref<128xi32, #tpu.memory_space<vmem>>) semaphore(%run_scoped3A : memref<!tpu.dma_semaphore, #tpu.memory_space<semaphore_mem>>) {add = true}
        %dma_wait3A_75 = arith.constant 0 : i32
        %dma_wait3A_76 = tpu.memref_slice %arg7[%add3A_68, %dma_wait3A_75] : memref<160x128xi32, #tpu.memory_space<vmem>> -> memref<1x128xi32, #tpu.memory_space<vmem>>
        %dma_wait3A_77 = tpu.memref_squeeze %dma_wait3A_76 : memref<1x128xi32, #tpu.memory_space<vmem>> -> memref<128xi32, #tpu.memory_space<vmem>>
        %dma_wait3A_78 = arith.constant 0 : i32
        %dma_wait3A_79 = arith.constant 0 : i32
        %dma_wait3A_80 = tpu.memref_slice %arg10[%dma_wait3A_78, %dma_wait3A_79] : memref<10240x64xf32, #tpu.memory_space<vmem_shared>> -> memref<10240x64xf32, #tpu.memory_space<vmem_shared>>
        tpu.wait_indirect_dma semaphore(%run_scoped3A : memref<!tpu.dma_semaphore, #tpu.memory_space<semaphore_mem>>) src(%arg9 : memref<128x64xf32, #tpu.memory_space<vmem>>) dst(%dma_wait3A_80 : memref<10240x64xf32, #tpu.memory_space<vmem_shared>>)
        tpu.yield
      }) : () -> ()
    }
    %scan3A_30 = arith.constant 80 : i32
    %barrier3A_31 = arith.constant 0 : index
    tpu.barrier barrier_id(%barrier3A_31)
    %scan3A_32 = arith.constant 0 : i32
    %scan3A_33 = arith.constant 0 : i32
    %scan3A_34 = arith.constant 5 : i32
    %scan3A_35 = arith.addi %scan3A_33, %scan3A_34 : i32
    %scan3A_36 = arith.constant 1 : i32
    scf.for %scan3A_38 = %scan3A_33 to %scan3A_35 step %scan3A_36  : i32 {
      %mul3A_39 = arith.constant 640 : i32
      %mul3A_40 = arith.muli %arg1, %mul3A_39 : i32
      %mul3A_41 = arith.constant 128 : i32
      %mul3A_42 = arith.muli %scan3A_38, %mul3A_41 : i32
      %add3A = arith.addi %mul3A_40, %mul3A_42 : i32
      "tpu.region"() ({
        %run_scoped3A = tpu.sem_alloc : memref<!tpu.dma_semaphore, #tpu.memory_space<semaphore_mem>>
        %dma_start3A_43 = arith.constant 0 : i32
        %dma_start3A_44 = tpu.memref_slice %arg10[%add3A, %dma_start3A_43] : memref<10240x64xf32, #tpu.memory_space<vmem_shared>> -> memref<128x64xf32, #tpu.memory_space<vmem_shared>>
        %dma_start3A_45 = arith.constant 0 : i32
        %dma_start3A_46 = tpu.memref_slice %arg10[%add3A, %dma_start3A_45] : memref<10240x64xf32, #tpu.memory_space<vmem_shared>> -> memref<128x64xf32, #tpu.memory_space<vmem_shared>>
        tpu.enqueue_dma source(%dma_start3A_46 : memref<128x64xf32, #tpu.memory_space<vmem_shared>>) target(%arg8 : memref<128x64xf32, #tpu.memory_space<vmem>>) target_semaphore(%run_scoped3A : memref<!tpu.dma_semaphore, #tpu.memory_space<semaphore_mem>>)
        %dma_wait3A = arith.constant 0 : i32
        %dma_wait3A_47 = tpu.memref_slice %arg10[%add3A, %dma_wait3A] : memref<10240x64xf32, #tpu.memory_space<vmem_shared>> -> memref<128x64xf32, #tpu.memory_space<vmem_shared>>
        %dma_wait3A_48 = arith.constant 0 : i32
        %dma_wait3A_49 = tpu.memref_slice %arg10[%add3A, %dma_wait3A_48] : memref<10240x64xf32, #tpu.memory_space<vmem_shared>> -> memref<128x64xf32, #tpu.memory_space<vmem_shared>>
        tpu.wait_dma2 semaphore(%run_scoped3A : memref<!tpu.dma_semaphore, #tpu.memory_space<semaphore_mem>>) src(%dma_wait3A_49 : memref<128x64xf32, #tpu.memory_space<vmem_shared>>) dst(%arg8 : memref<128x64xf32, #tpu.memory_space<vmem>>)
        tpu.yield
      }) : () -> ()
      "tpu.region"() ({
        %run_scoped3A = tpu.sem_alloc : memref<!tpu.dma_semaphore, #tpu.memory_space<semaphore_mem>>
        %dma_start3A_43 = arith.constant 0 : i32
        %dma_start3A_44 = tpu.memref_slice %arg5[%arg0, %add3A, %dma_start3A_43] : memref<2x10240x64xf32, #tpu.memory_space<hbm>> -> memref<1x128x64xf32, #tpu.memory_space<hbm>>
        %dma_start3A_45 = tpu.memref_squeeze %dma_start3A_44 : memref<1x128x64xf32, #tpu.memory_space<hbm>> -> memref<128x64xf32, #tpu.memory_space<hbm>>
        %dma_start3A_46 = arith.constant 0 : i32
        %dma_start3A_47 = tpu.memref_slice %arg5[%arg0, %add3A, %dma_start3A_46] : memref<2x10240x64xf32, #tpu.memory_space<hbm>> -> memref<1x128x64xf32, #tpu.memory_space<hbm>>
        %dma_start3A_48 = tpu.memref_squeeze %dma_start3A_47 : memref<1x128x64xf32, #tpu.memory_space<hbm>> -> memref<128x64xf32, #tpu.memory_space<hbm>>
        tpu.enqueue_dma source(%arg8 : memref<128x64xf32, #tpu.memory_space<vmem>>) target(%dma_start3A_48 : memref<128x64xf32, #tpu.memory_space<hbm>>) target_semaphore(%run_scoped3A : memref<!tpu.dma_semaphore, #tpu.memory_space<semaphore_mem>>)
        %dma_wait3A = arith.constant 0 : i32
        %dma_wait3A_49 = tpu.memref_slice %arg5[%arg0, %add3A, %dma_wait3A] : memref<2x10240x64xf32, #tpu.memory_space<hbm>> -> memref<1x128x64xf32, #tpu.memory_space<hbm>>
        %dma_wait3A_50 = tpu.memref_squeeze %dma_wait3A_49 : memref<1x128x64xf32, #tpu.memory_space<hbm>> -> memref<128x64xf32, #tpu.memory_space<hbm>>
        %dma_wait3A_51 = arith.constant 0 : i32
        %dma_wait3A_52 = tpu.memref_slice %arg5[%arg0, %add3A, %dma_wait3A_51] : memref<2x10240x64xf32, #tpu.memory_space<hbm>> -> memref<1x128x64xf32, #tpu.memory_space<hbm>>
        %dma_wait3A_53 = tpu.memref_squeeze %dma_wait3A_52 : memref<1x128x64xf32, #tpu.memory_space<hbm>> -> memref<128x64xf32, #tpu.memory_space<hbm>>
        tpu.wait_dma2 semaphore(%run_scoped3A : memref<!tpu.dma_semaphore, #tpu.memory_space<semaphore_mem>>) src(%arg8 : memref<128x64xf32, #tpu.memory_space<vmem>>) dst(%dma_wait3A_53 : memref<128x64xf32, #tpu.memory_space<hbm>>)
        tpu.yield
      }) : () -> ()
    }
    %scan3A_37 = arith.constant 5 : i32
    return
  }
}

module attributes {stable_mosaic.version = 14 : i64} {
  func.func @_tc_b_body(%arg0: i32, %arg1: memref<2048x128xf32, #tpu.memory_space<vmem>>, %arg2: memref<128x128xf32, #tpu.memory_space<vmem>>, %arg3: memref<2x2048x16xf32, #tpu.memory_space<vmem>>, %arg4: memref<2x2048x64xf32, #tpu.memory_space<vmem>>) attributes {dimension_semantics = [#tpu.dimension_semantics<arbitrary>], iteration_bounds = array<i64: 5>, scalar_prefetch = 0 : i64, scratch_operands = 0 : i64, tpu.core_type = #tpu.core_type<tc>, window_params = [{transform_indices = @transform_0, window_bounds = array<i64: 2048, 128>}, {pipeline_mode = #tpu.pipeline_mode<synchronous>, transform_indices = @transform_1, window_bounds = array<i64: 128, 128>}, {transform_indices = @transform_2, window_bounds = array<i64: 2, 2048, 16>}, {transform_indices = @transform_3, window_bounds = array<i64: 2, 2048, 64>}]} {
    %get3A = arith.constant 0 : index
    %get3A_0 = arith.constant 0 : index
    %get3A_1 = arith.constant 0 : index
    %get3A_2 = vector.load %arg3[%get3A, %get3A_0, %get3A_1] : memref<2x2048x16xf32, #tpu.memory_space<vmem>>, vector<1x2048x1xf32>
    %get3A_3 = vector.shape_cast %get3A_2 : vector<1x2048x1xf32> to vector<2048x1xf32>
    %get3A_4 = arith.constant 1 : index
    %get3A_5 = arith.constant 0 : index
    %get3A_6 = arith.constant 0 : index
    %get3A_7 = vector.load %arg3[%get3A_4, %get3A_5, %get3A_6] : memref<2x2048x16xf32, #tpu.memory_space<vmem>>, vector<1x2048x1xf32>
    %get3A_8 = vector.shape_cast %get3A_7 : vector<1x2048x1xf32> to vector<2048x1xf32>
    %add3A = arith.addf %get3A_3, %get3A_8 : vector<2048x1xf32>
    %add3A_9 = arith.constant 1.000000e+00 : f32
    %add3A_10 = vector.broadcast %add3A_9 : f32 to vector<2048x1xf32>
    %add3A_11 = arith.addf %add3A, %add3A_10 : vector<2048x1xf32>
    %rsqrt3A = math.rsqrt %add3A_11 : vector<2048x1xf32>
    %get3A_12 = arith.constant 0 : index
    %get3A_13 = arith.constant 0 : index
    %get3A_14 = vector.load %arg1[%get3A_12, %get3A_13] : memref<2048x128xf32, #tpu.memory_space<vmem>>, vector<2048x128xf32>
    %get3A_15 = arith.constant 0 : index
    %get3A_16 = arith.constant 0 : index
    %get3A_17 = vector.load %arg2[%get3A_15, %get3A_16] : memref<128x128xf32, #tpu.memory_space<vmem>>, vector<128x128xf32>
    %dot_general3A = arith.constant dense<0.000000e+00> : vector<2048x128xf32>
    %dot_general3A_18 = tpu.matmul %get3A_14, %get3A_17, %dot_general3A {dimension_numbers = #tpu.dot_dimension_numbers<[1], [0], [0], [1], [0, 0, 1, 1], [], []>, transpose_lhs_hint = false} : vector<2048x128xf32>, vector<128x128xf32>, vector<2048x128xf32> -> vector<2048x128xf32>
    %mul3A = vector.broadcast %rsqrt3A : vector<2048x1xf32> to vector<2048x128xf32>
    %mul3A_19 = arith.mulf %dot_general3A_18, %mul3A : vector<2048x128xf32>
    %slice3A = vector.extract_strided_slice %mul3A_19 {offsets = [0, 0], sizes = [2048, 64], strides = [1, 1]} : vector<2048x128xf32> to vector<2048x64xf32>
    %swap3A = arith.constant 0 : index
    %swap3A_20 = arith.constant 0 : index
    %swap3A_21 = arith.constant 0 : index
    %swap3A_22 = vector.load %arg4[%swap3A, %swap3A_20, %swap3A_21] : memref<2x2048x64xf32, #tpu.memory_space<vmem>>, vector<1x2048x64xf32>
    %swap3A_23 = vector.shape_cast %swap3A_22 : vector<1x2048x64xf32> to vector<2048x64xf32>
    %swap3A_24 = vector.shape_cast %slice3A : vector<2048x64xf32> to vector<1x2048x64xf32>
    tpu.vector_store %arg4[%swap3A, %swap3A_20, %swap3A_21], %swap3A_24 {strides = array<i32>} : memref<2x2048x64xf32, #tpu.memory_space<vmem>>, vector<1x2048x64xf32>,
    %slice3A_25 = vector.extract_strided_slice %mul3A_19 {offsets = [0, 64], sizes = [2048, 64], strides = [1, 1]} : vector<2048x128xf32> to vector<2048x64xf32>
    %swap3A_26 = arith.constant 1 : index
    %swap3A_27 = arith.constant 0 : index
    %swap3A_28 = arith.constant 0 : index
    %swap3A_29 = vector.load %arg4[%swap3A_26, %swap3A_27, %swap3A_28] : memref<2x2048x64xf32, #tpu.memory_space<vmem>>, vector<1x2048x64xf32>
    %swap3A_30 = vector.shape_cast %swap3A_29 : vector<1x2048x64xf32> to vector<2048x64xf32>
    %swap3A_31 = vector.shape_cast %slice3A_25 : vector<2048x64xf32> to vector<1x2048x64xf32>
    tpu.vector_store %arg4[%swap3A_26, %swap3A_27, %swap3A_28], %swap3A_31 {strides = array<i32>} : memref<2x2048x64xf32, #tpu.memory_space<vmem>>, vector<1x2048x64xf32>,
    return
  }
  func.func @transform_0(%arg0: i32) -> (i32, i32) {
    %c0_i32 = arith.constant 0 : i32
    %c0_i32_0 = arith.constant 0 : i32
    return %arg0, %c0_i32 : i32, i32
  }
  func.func @transform_1(%arg0: i32) -> (i32, i32) {
    %c0_i32 = arith.constant 0 : i32
    %c0_i32_0 = arith.constant 0 : i32
    %c0_i32_1 = arith.constant 0 : i32
    return %c0_i32, %c0_i32_0 : i32, i32
  }
  func.func @transform_2(%arg0: i32) -> (i32, i32, i32) {
    %c0_i32 = arith.constant 0 : i32
    %c0_i32_0 = arith.constant 0 : i32
    %c0_i32_1 = arith.constant 0 : i32
    return %c0_i32, %arg0, %c0_i32_0 : i32, i32, i32
  }
  func.func @transform_3(%arg0: i32) -> (i32, i32, i32) {
    %c0_i32 = arith.constant 0 : i32
    %c0_i32_0 = arith.constant 0 : i32
    %c0_i32_1 = arith.constant 0 : i32
    return %c0_i32, %arg0, %c0_i32_0 : i32, i32, i32
  }
}

module attributes {stable_mosaic.version = 14 : i64} {
  func.func @_tc_d_body(%arg0: i32, %arg1: memref<2x2048x64xf32, #tpu.memory_space<vmem>>, %arg2: memref<2x2048x64xf32, #tpu.memory_space<vmem>>, %arg3: memref<2x2048x16xf32, #tpu.memory_space<vmem>>, %arg4: memref<1x128xf32, #tpu.memory_space<vmem>>, %arg5: memref<128x64xf32, #tpu.memory_space<vmem>>, %arg6: memref<2x2048x32xf32, #tpu.memory_space<vmem>>) attributes {dimension_semantics = [#tpu.dimension_semantics<arbitrary>], iteration_bounds = array<i64: 5>, scalar_prefetch = 0 : i64, scratch_operands = 0 : i64, tpu.core_type = #tpu.core_type<tc>, window_params = [{transform_indices = @transform_0, window_bounds = array<i64: 2, 2048, 64>}, {transform_indices = @transform_1, window_bounds = array<i64: 2, 2048, 64>}, {transform_indices = @transform_2, window_bounds = array<i64: 2, 2048, 16>}, {pipeline_mode = #tpu.pipeline_mode<synchronous>, transform_indices = @transform_3, window_bounds = array<i64: 1, 128>}, {pipeline_mode = #tpu.pipeline_mode<synchronous>, transform_indices = @transform_4, window_bounds = array<i64: 128, 64>}, {transform_indices = @transform_5, window_bounds = array<i64: 2, 2048, 32>}]} {
    %get3A = arith.constant 0 : index
    %get3A_0 = arith.constant 0 : index
    %get3A_1 = arith.constant 0 : index
    %get3A_2 = vector.load %arg3[%get3A, %get3A_0, %get3A_1] : memref<2x2048x16xf32, #tpu.memory_space<vmem>>, vector<1x2048x1xf32>
    %get3A_3 = vector.shape_cast %get3A_2 : vector<1x2048x1xf32> to vector<2048x1xf32>
    %get3A_4 = arith.constant 1 : index
    %get3A_5 = arith.constant 0 : index
    %get3A_6 = arith.constant 0 : index
    %get3A_7 = vector.load %arg3[%get3A_4, %get3A_5, %get3A_6] : memref<2x2048x16xf32, #tpu.memory_space<vmem>>, vector<1x2048x1xf32>
    %get3A_8 = vector.shape_cast %get3A_7 : vector<1x2048x1xf32> to vector<2048x1xf32>
    %add3A = arith.addf %get3A_3, %get3A_8 : vector<2048x1xf32>
    %add3A_9 = arith.constant 1.000000e+00 : f32
    %add3A_10 = vector.broadcast %add3A_9 : f32 to vector<2048x1xf32>
    %add3A_11 = arith.addf %add3A, %add3A_10 : vector<2048x1xf32>
    %rsqrt3A = math.rsqrt %add3A_11 : vector<2048x1xf32>
    %get3A_12 = arith.constant 0 : index
    %get3A_13 = arith.constant 0 : index
    %get3A_14 = vector.load %arg4[%get3A_12, %get3A_13] : memref<1x128xf32, #tpu.memory_space<vmem>>, vector<1x128xf32>
    %get3A_15 = arith.constant 0 : index
    %get3A_16 = arith.constant 0 : index
    %get3A_17 = arith.constant 0 : index
    %get3A_18 = vector.load %arg1[%get3A_15, %get3A_16, %get3A_17] : memref<2x2048x64xf32, #tpu.memory_space<vmem>>, vector<1x2048x64xf32>
    %get3A_19 = vector.shape_cast %get3A_18 : vector<1x2048x64xf32> to vector<2048x64xf32>
    %get3A_20 = arith.constant 0 : index
    %get3A_21 = arith.constant 0 : index
    %get3A_22 = arith.constant 0 : index
    %get3A_23 = vector.load %arg2[%get3A_20, %get3A_21, %get3A_22] : memref<2x2048x64xf32, #tpu.memory_space<vmem>>, vector<1x2048x64xf32>
    %get3A_24 = vector.shape_cast %get3A_23 : vector<1x2048x64xf32> to vector<2048x64xf32>
    %add3A_25 = arith.addf %get3A_19, %get3A_24 : vector<2048x64xf32>
    %mul3A = vector.broadcast %rsqrt3A : vector<2048x1xf32> to vector<2048x64xf32>
    %mul3A_26 = arith.mulf %mul3A, %add3A_25 : vector<2048x64xf32>
    %slice3A = vector.extract_strided_slice %get3A_14 {offsets = [0, 0], sizes = [1, 64], strides = [1, 1]} : vector<1x128xf32> to vector<1x64xf32>
    %add3A_27 = vector.broadcast %slice3A : vector<1x64xf32> to vector<2048x64xf32>
    %add3A_28 = arith.addf %mul3A_26, %add3A_27 : vector<2048x64xf32>
    %get3A_29 = arith.constant 1 : index
    %get3A_30 = arith.constant 0 : index
    %get3A_31 = arith.constant 0 : index
    %get3A_32 = vector.load %arg1[%get3A_29, %get3A_30, %get3A_31] : memref<2x2048x64xf32, #tpu.memory_space<vmem>>, vector<1x2048x64xf32>
    %get3A_33 = vector.shape_cast %get3A_32 : vector<1x2048x64xf32> to vector<2048x64xf32>
    %get3A_34 = arith.constant 1 : index
    %get3A_35 = arith.constant 0 : index
    %get3A_36 = arith.constant 0 : index
    %get3A_37 = vector.load %arg2[%get3A_34, %get3A_35, %get3A_36] : memref<2x2048x64xf32, #tpu.memory_space<vmem>>, vector<1x2048x64xf32>
    %get3A_38 = vector.shape_cast %get3A_37 : vector<1x2048x64xf32> to vector<2048x64xf32>
    %add3A_39 = arith.addf %get3A_33, %get3A_38 : vector<2048x64xf32>
    %mul3A_40 = vector.broadcast %rsqrt3A : vector<2048x1xf32> to vector<2048x64xf32>
    %mul3A_41 = arith.mulf %mul3A_40, %add3A_39 : vector<2048x64xf32>
    %slice3A_42 = vector.extract_strided_slice %get3A_14 {offsets = [0, 64], sizes = [1, 64], strides = [1, 1]} : vector<1x128xf32> to vector<1x64xf32>
    %add3A_43 = vector.broadcast %slice3A_42 : vector<1x64xf32> to vector<2048x64xf32>
    %add3A_44 = arith.addf %mul3A_41, %add3A_43 : vector<2048x64xf32>
    %concatenate3A = tpu.concatenate %add3A_28, %add3A_44 in 1 : vector<2048x64xf32>, vector<2048x64xf32> -> vector<2048x128xf32>
    %max3A = arith.constant 0.000000e+00 : f32
    %max3A_45 = vector.broadcast %max3A : f32 to vector<2048x128xf32>
    %max3A_46 = arith.maximumf %concatenate3A, %max3A_45 : vector<2048x128xf32>
    %get3A_47 = arith.constant 0 : index
    %get3A_48 = arith.constant 0 : index
    %get3A_49 = vector.load %arg5[%get3A_47, %get3A_48] : memref<128x64xf32, #tpu.memory_space<vmem>>, vector<128x64xf32>
    %dot_general3A = arith.constant dense<0.000000e+00> : vector<2048x64xf32>
    %dot_general3A_50 = tpu.matmul %max3A_46, %get3A_49, %dot_general3A {dimension_numbers = #tpu.dot_dimension_numbers<[1], [0], [0], [1], [0, 0, 1, 1], [], []>, transpose_lhs_hint = false} : vector<2048x128xf32>, vector<128x64xf32>, vector<2048x64xf32> -> vector<2048x64xf32>
    %mul3A_51 = vector.broadcast %rsqrt3A : vector<2048x1xf32> to vector<2048x64xf32>
    %mul3A_52 = arith.mulf %dot_general3A_50, %mul3A_51 : vector<2048x64xf32>
    %slice3A_53 = vector.extract_strided_slice %mul3A_52 {offsets = [0, 0], sizes = [2048, 32], strides = [1, 1]} : vector<2048x64xf32> to vector<2048x32xf32>
    %swap3A = arith.constant 0 : index
    %swap3A_54 = arith.constant 0 : index
    %swap3A_55 = arith.constant 0 : index
    %swap3A_56 = vector.load %arg6[%swap3A, %swap3A_54, %swap3A_55] : memref<2x2048x32xf32, #tpu.memory_space<vmem>>, vector<1x2048x32xf32>
    %swap3A_57 = vector.shape_cast %swap3A_56 : vector<1x2048x32xf32> to vector<2048x32xf32>
    %swap3A_58 = vector.shape_cast %slice3A_53 : vector<2048x32xf32> to vector<1x2048x32xf32>
    tpu.vector_store %arg6[%swap3A, %swap3A_54, %swap3A_55], %swap3A_58 {strides = array<i32>} : memref<2x2048x32xf32, #tpu.memory_space<vmem>>, vector<1x2048x32xf32>,
    %slice3A_59 = vector.extract_strided_slice %mul3A_52 {offsets = [0, 32], sizes = [2048, 32], strides = [1, 1]} : vector<2048x64xf32> to vector<2048x32xf32>
    %swap3A_60 = arith.constant 1 : index
    %swap3A_61 = arith.constant 0 : index
    %swap3A_62 = arith.constant 0 : index
    %swap3A_63 = vector.load %arg6[%swap3A_60, %swap3A_61, %swap3A_62] : memref<2x2048x32xf32, #tpu.memory_space<vmem>>, vector<1x2048x32xf32>
    %swap3A_64 = vector.shape_cast %swap3A_63 : vector<1x2048x32xf32> to vector<2048x32xf32>
    %swap3A_65 = vector.shape_cast %slice3A_59 : vector<2048x32xf32> to vector<1x2048x32xf32>
    tpu.vector_store %arg6[%swap3A_60, %swap3A_61, %swap3A_62], %swap3A_65 {strides = array<i32>} : memref<2x2048x32xf32, #tpu.memory_space<vmem>>, vector<1x2048x32xf32>,
    return
  }
  func.func @transform_0(%arg0: i32) -> (i32, i32, i32) {
    %c0_i32 = arith.constant 0 : i32
    %c0_i32_0 = arith.constant 0 : i32
    %c0_i32_1 = arith.constant 0 : i32
    return %c0_i32, %arg0, %c0_i32_0 : i32, i32, i32
  }
  func.func @transform_1(%arg0: i32) -> (i32, i32, i32) {
    %c0_i32 = arith.constant 0 : i32
    %c0_i32_0 = arith.constant 0 : i32
    %c0_i32_1 = arith.constant 0 : i32
    return %c0_i32, %arg0, %c0_i32_0 : i32, i32, i32
  }
  func.func @transform_2(%arg0: i32) -> (i32, i32, i32) {
    %c0_i32 = arith.constant 0 : i32
    %c0_i32_0 = arith.constant 0 : i32
    %c0_i32_1 = arith.constant 0 : i32
    return %c0_i32, %arg0, %c0_i32_0 : i32, i32, i32
  }
  func.func @transform_3(%arg0: i32) -> (i32, i32) {
    %c0_i32 = arith.constant 0 : i32
    %c0_i32_0 = arith.constant 0 : i32
    %c0_i32_1 = arith.constant 0 : i32
    return %c0_i32, %c0_i32_0 : i32, i32
  }
  func.func @transform_4(%arg0: i32) -> (i32, i32) {
    %c0_i32 = arith.constant 0 : i32
    %c0_i32_0 = arith.constant 0 : i32
    %c0_i32_1 = arith.constant 0 : i32
    return %c0_i32, %c0_i32_0 : i32, i32
  }
  func.func @transform_5(%arg0: i32) -> (i32, i32, i32) {
    %c0_i32 = arith.constant 0 : i32
    %c0_i32_0 = arith.constant 0 : i32
    %c0_i32_1 = arith.constant 0 : i32
    return %c0_i32, %arg0, %c0_i32_0 : i32, i32, i32
  }
}

module attributes {stable_mosaic.version = 14 : i64} {
  func.func @_tc_f_body(%arg0: i32, %arg1: memref<2x2048x32xf32, #tpu.memory_space<vmem>>, %arg2: memref<2x2048x32xf32, #tpu.memory_space<vmem>>, %arg3: memref<2x2048x16xf32, #tpu.memory_space<vmem>>, %arg4: memref<1x64xf32, #tpu.memory_space<vmem>>, %arg5: memref<2048x64xf32, #tpu.memory_space<vmem>>) attributes {dimension_semantics = [#tpu.dimension_semantics<arbitrary>], iteration_bounds = array<i64: 5>, scalar_prefetch = 0 : i64, scratch_operands = 0 : i64, tpu.core_type = #tpu.core_type<tc>, window_params = [{transform_indices = @transform_0, window_bounds = array<i64: 2, 2048, 32>}, {transform_indices = @transform_1, window_bounds = array<i64: 2, 2048, 32>}, {transform_indices = @transform_2, window_bounds = array<i64: 2, 2048, 16>}, {pipeline_mode = #tpu.pipeline_mode<synchronous>, transform_indices = @transform_3, window_bounds = array<i64: 1, 64>}, {transform_indices = @transform_4, window_bounds = array<i64: 2048, 64>}]} {
    %get3A = arith.constant 0 : index
    %get3A_0 = arith.constant 0 : index
    %get3A_1 = arith.constant 0 : index
    %get3A_2 = vector.load %arg3[%get3A, %get3A_0, %get3A_1] : memref<2x2048x16xf32, #tpu.memory_space<vmem>>, vector<1x2048x1xf32>
    %get3A_3 = vector.shape_cast %get3A_2 : vector<1x2048x1xf32> to vector<2048x1xf32>
    %get3A_4 = arith.constant 1 : index
    %get3A_5 = arith.constant 0 : index
    %get3A_6 = arith.constant 0 : index
    %get3A_7 = vector.load %arg3[%get3A_4, %get3A_5, %get3A_6] : memref<2x2048x16xf32, #tpu.memory_space<vmem>>, vector<1x2048x1xf32>
    %get3A_8 = vector.shape_cast %get3A_7 : vector<1x2048x1xf32> to vector<2048x1xf32>
    %add3A = arith.addf %get3A_3, %get3A_8 : vector<2048x1xf32>
    %add3A_9 = arith.constant 1.000000e+00 : f32
    %add3A_10 = vector.broadcast %add3A_9 : f32 to vector<2048x1xf32>
    %add3A_11 = arith.addf %add3A, %add3A_10 : vector<2048x1xf32>
    %rsqrt3A = math.rsqrt %add3A_11 : vector<2048x1xf32>
    %get3A_12 = arith.constant 0 : index
    %get3A_13 = arith.constant 0 : index
    %get3A_14 = arith.constant 0 : index
    %get3A_15 = vector.load %arg1[%get3A_12, %get3A_13, %get3A_14] : memref<2x2048x32xf32, #tpu.memory_space<vmem>>, vector<1x2048x32xf32>
    %get3A_16 = vector.shape_cast %get3A_15 : vector<1x2048x32xf32> to vector<2048x32xf32>
    %get3A_17 = arith.constant 0 : index
    %get3A_18 = arith.constant 0 : index
    %get3A_19 = arith.constant 0 : index
    %get3A_20 = vector.load %arg2[%get3A_17, %get3A_18, %get3A_19] : memref<2x2048x32xf32, #tpu.memory_space<vmem>>, vector<1x2048x32xf32>
    %get3A_21 = vector.shape_cast %get3A_20 : vector<1x2048x32xf32> to vector<2048x32xf32>
    %add3A_22 = arith.addf %get3A_16, %get3A_21 : vector<2048x32xf32>
    %get3A_23 = arith.constant 1 : index
    %get3A_24 = arith.constant 0 : index
    %get3A_25 = arith.constant 0 : index
    %get3A_26 = vector.load %arg1[%get3A_23, %get3A_24, %get3A_25] : memref<2x2048x32xf32, #tpu.memory_space<vmem>>, vector<1x2048x32xf32>
    %get3A_27 = vector.shape_cast %get3A_26 : vector<1x2048x32xf32> to vector<2048x32xf32>
    %get3A_28 = arith.constant 1 : index
    %get3A_29 = arith.constant 0 : index
    %get3A_30 = arith.constant 0 : index
    %get3A_31 = vector.load %arg2[%get3A_28, %get3A_29, %get3A_30] : memref<2x2048x32xf32, #tpu.memory_space<vmem>>, vector<1x2048x32xf32>
    %get3A_32 = vector.shape_cast %get3A_31 : vector<1x2048x32xf32> to vector<2048x32xf32>
    %add3A_33 = arith.addf %get3A_27, %get3A_32 : vector<2048x32xf32>
    %concatenate3A = tpu.concatenate %add3A_22, %add3A_33 in 1 : vector<2048x32xf32>, vector<2048x32xf32> -> vector<2048x64xf32>
    %mul3A = vector.broadcast %rsqrt3A : vector<2048x1xf32> to vector<2048x64xf32>
    %mul3A_34 = arith.mulf %mul3A, %concatenate3A : vector<2048x64xf32>
    %get3A_35 = arith.constant 0 : index
    %get3A_36 = arith.constant 0 : index
    %get3A_37 = vector.load %arg4[%get3A_35, %get3A_36] : memref<1x64xf32, #tpu.memory_space<vmem>>, vector<1x64xf32>
    %add3A_38 = vector.broadcast %get3A_37 : vector<1x64xf32> to vector<2048x64xf32>
    %add3A_39 = arith.addf %mul3A_34, %add3A_38 : vector<2048x64xf32>
    %swap3A = arith.constant 0 : index
    %swap3A_40 = arith.constant 0 : index
    %swap3A_41 = vector.load %arg5[%swap3A, %swap3A_40] : memref<2048x64xf32, #tpu.memory_space<vmem>>, vector<2048x64xf32>
    tpu.vector_store %arg5[%swap3A, %swap3A_40], %add3A_39 {strides = array<i32>} : memref<2048x64xf32, #tpu.memory_space<vmem>>, vector<2048x64xf32>,
    return
  }
  func.func @transform_0(%arg0: i32) -> (i32, i32, i32) {
    %c0_i32 = arith.constant 0 : i32
    %c0_i32_0 = arith.constant 0 : i32
    %c0_i32_1 = arith.constant 0 : i32
    return %c0_i32, %arg0, %c0_i32_0 : i32, i32, i32
  }
  func.func @transform_1(%arg0: i32) -> (i32, i32, i32) {
    %c0_i32 = arith.constant 0 : i32
    %c0_i32_0 = arith.constant 0 : i32
    %c0_i32_1 = arith.constant 0 : i32
    return %c0_i32, %arg0, %c0_i32_0 : i32, i32, i32
  }
  func.func @transform_2(%arg0: i32) -> (i32, i32, i32) {
    %c0_i32 = arith.constant 0 : i32
    %c0_i32_0 = arith.constant 0 : i32
    %c0_i32_1 = arith.constant 0 : i32
    return %c0_i32, %arg0, %c0_i32_0 : i32, i32, i32
  }
  func.func @transform_3(%arg0: i32) -> (i32, i32) {
    %c0_i32 = arith.constant 0 : i32
    %c0_i32_0 = arith.constant 0 : i32
    %c0_i32_1 = arith.constant 0 : i32
    return %c0_i32, %c0_i32_0 : i32, i32
  }
  func.func @transform_4(%arg0: i32) -> (i32, i32) {
    %c0_i32 = arith.constant 0 : i32
    %c0_i32_0 = arith.constant 0 : i32
    return %arg0, %c0_i32 : i32, i32
  }
}

</mosaic_0001>

<sc_bundles>
// kernel: kernel.11.cloned.1.call-start
scs
__scs_entry_jumppad:
0x0: {  	(pc) =	sbr.rel $0x88, $3  }
0x1: {  	(tag) =	ssettag $0x0;
	lr =	simm.s32 $0x1  }
0x2: {  	[smem:$0x3F9A] =	sst lr;
	_ =	strace $0xD0000000  }
0x3: {  	_ = 	snop  }
0x4: {  	_ = 	snop  }
0x5: {  	_ = 	snop  }
0x6: {  	_ = 	snop  }
0x7: {  	_ = 	snop  }
__scs_overlays_trampoline_lowered:
0x8: {  	[smem:$0x3FA9] =	sst s0  }
0x9: {  	[smem:$0x3FAA] =	sst s1  }
0xa: {  	[smem:$0x3FAB] =	sst s2  }
0xb: {  	[smem:$0x3FAC] =	sst s3  }
0xc: {  	[smem:$0x3FAD] =	sst s4  }
0xd: {  	[smem:$0x3FAE] =	sst s5  }
0xe: {  	[smem:$0x3FAF] =	sst s6  }
0xf: {  	[smem:$0x3FB0] =	sst s7  }
0x10: {  	[smem:$0x3FB1] =	sst s8  }
0x11: {  	[smem:$0x3FB2] =	sst s9;
	s0 =	simm.s32 @!p0 $0x0  }
0x12: {  	s1 =	sld [smem:$0x3F98];
	s0 =	simm.s32 @p0 $0x1  }
0x13: {  	[smem:$0x3FB3] =	sst s0;
	s0 =	simm.s32 @!p1 $0x0  }
0x14: {  	s2 =	sld [smem:$0x3F97];
	s0 =	simm.s32 @p1 $0x1  }
0x15: {  	[smem:$0x3FB4] =	sst s0;
	s0 =	simm.s32 @!p2 $0x0  }
0x16: {  	s3 =	sld [smem:$0x3FDB];
	s0 =	simm.s32 @p2 $0x1  }
0x17: {  	s4 =	simm.s32 $0x1BF5;
	[smem:$0x3FB6] =	sst s0  }
0x18: {  	s0 =	sld [smem:$0x3F99];
	_ =	swait.ge [sflag:s4], $0x0  }
0x19: {  	s7 =	sld [smem:$0x3F9A]  }
0x1a: {  	s8 =	sadd.s32 $0xFFFFE003, lr  }
0x1b: {  	s9 =	sadd.s32 $0xFFFFFEF7, lr;
	s5 =	simm.s32 $0xFFFFFFFF;
	p2 =	slt.u32 s8, $0xFFFFF086  }
0x1c: {  	p1 =	slt.u32 s9, $0xF7A;
	s5 =	simm.s32 @!p2 $0x0  }
0x1d: {  	s5 =	simm.s32 @p1 $0x1;
	p0 =	seq.s32 s7, s2  }
0x1e: {  	s7 =	smul.u32 @!p0 $0xF7A, s2;
	p2 =	seq.s32 @!p0 s5, $0x0  }
0x1f: {  	s9 =	smul.u32 $0xF7A, s1;
	s8 =	simm.s32 @!p0 $0x1BF5;
	p2 =	por !p2, p0  }
0x20: {  	[sflag:s8] =	ssyncset.s32 @!p0 $0xFFFFF086;
	s6 =	sadd.s32 @!p0 s3, s7;
	s7 =	simm.s32 @!p0 $0x108  }
0x21: {  	s3 =	sadd.s32 s3, s9;
	s6 =	sadd.s32 @!p0 $0x88, s6;
	s7 =	simm.s32 @p2 $0x1082  }
0x22: {  	[simem:s7], [sflag:s8] =	dma.local @!p0 [hbm:s6], $0xF7A  }
0x23: {  	s9 =	sor.u32 $0xD0000000, s2;
	s6 =	simm.s32 $0x108;
	_ =	swait.ge @!p0 [sflag:s8], $0x0  }
0x24: {  	s3 =	sadd.s32 $0x88, s3;
	s6 =	simm.s32 @!p1 $0x1082;
	[sflag:s4] =	ssyncset.s32 $0xFFFFF086  }
0x25: {  	[simem:s6], [sflag:s4] =	dma.local [hbm:s3], $0xF7A  }
0x26: {  	[smem:$0x3F9A] =	sst s1;
	(tag) =	ssettag s2;
	_ =	strace s9  }
0x27: {  	s1 =	sld [smem:$0x3FAA]  }
0x28: {  	s2 =	sld [smem:$0x3FAB]  }
0x29: {  	s4 =	sld [smem:$0x3FAD]  }
0x2a: {  	p0 =	seq.s32 s5, $0x0;
	s5 =	sld [smem:$0x3FAE]  }
0x2b: {  	s6 =	sld [smem:$0x3FAF]  }
0x2c: {  	s7 =	sld [smem:$0x3FB0]  }
0x2d: {  	s3 =	simm.s32 $0x108;
	s8 =	sld [smem:$0x3FB1]  }
0x2e: {  	s3 =	simm.s32 @!p0 $0x1082;
	s9 =	sld [smem:$0x3FB2]  }
0x2f: {  	lr =	sadd.s32 s0, s3;
	s0 =	sld [smem:$0x3FA9]  }
0x30: {  	s3 =	sld [smem:$0x3FAC]  }
0x31: {  	[smem:$0x3FB5] =	sst s10  }
0x32: {  	s10 =	sld [smem:$0x3FB3];
	_ =	sdelay $0x3  }
0x33: {  	p0 =	seq.s32 s10, $0x1;
	s10 =	sld [smem:$0x3FB5];
	_ =	sdelay $0x3  }
0x34: {  	[smem:$0x3FB5] =	sst s10  }
0x35: {  	s10 =	sld [smem:$0x3FB4];
	_ =	sdelay $0x3  }
0x36: {  	p1 =	seq.s32 s10, $0x1;
	s10 =	sld [smem:$0x3FB5];
	_ =	sdelay $0x3  }
0x37: {  	[smem:$0x3FB5] =	sst s10  }
0x38: {  	s10 =	sld [smem:$0x3FB6]  }
0x39: {  	_ = 	snop;
	(pc) =	sbr.ind lr, $3  }
0x3a: {  	_ = 	snop  }
0x3b: {  	_ = 	snop  }
0x3c: {  	p2 =	seq.s32 s10, $0x1;
	s10 =	sld [smem:$0x3FB5]  }
0x3d: {  	_ =	shalt  }
0x3e: {  	_ =	shalt  }
0x3f: {  	_ =	shalt  }
0x40: {  	_ =	shalt  }
0x41: {  	_ =	shalt  }
0x42: {  	_ =	shalt  }
0x43: {  	_ =	shalt  }
0x44: {  	_ =	shalt  }
0x45: {  	_ =	shalt  }
0x46: {  	_ =	shalt  }
0x47: {  	_ =	shalt  }
0x48: {  	_ =	shalt  }
0x49: {  	_ =	shalt  }
0x4a: {  	_ =	shalt  }
0x4b: {  	_ =	shalt  }
0x4c: {  	_ =	shalt  }
0x4d: {  	_ =	shalt  }
0x4e: {  	_ =	shalt  }
0x4f: {  	_ =	shalt  }
0x50: {  	_ =	shalt  }
0x51: {  	_ =	shalt  }
0x52: {  	_ =	shalt  }
0x53: {  	_ =	shalt  }
0x54: {  	_ =	shalt  }
0x55: {  	_ =	shalt  }
0x56: {  	_ =	shalt  }
0x57: {  	_ =	shalt  }
0x58: {  	_ =	shalt  }
0x59: {  	_ =	shalt  }
0x5a: {  	_ =	shalt  }
0x5b: {  	_ =	shalt  }
0x5c: {  	_ =	shalt  }
0x5d: {  	_ =	shalt  }
0x5e: {  	_ =	shalt  }
0x5f: {  	_ =	shalt  }
0x60: {  	_ =	shalt  }
0x61: {  	_ =	shalt  }
0x62: {  	_ =	shalt  }
0x63: {  	_ =	shalt  }
0x64: {  	_ =	shalt  }
0x65: {  	_ =	shalt  }
0x66: {  	_ =	shalt  }
0x67: {  	_ =	shalt  }
0x68: {  	_ =	shalt  }
0x69: {  	_ =	shalt  }
0x6a: {  	_ =	shalt  }
0x6b: {  	_ =	shalt  }
0x6c: {  	_ =	shalt  }
0x6d: {  	_ =	shalt  }
0x6e: {  	_ =	shalt  }
0x6f: {  	_ =	shalt  }
0x70: {  	_ =	shalt  }
0x71: {  	_ =	shalt  }
0x72: {  	_ =	shalt  }
0x73: {  	_ =	shalt  }
0x74: {  	_ =	shalt  }
0x75: {  	_ =	shalt  }
0x76: {  	_ =	shalt  }
0x77: {  	_ =	shalt  }
0x78: {  	_ =	shalt  }
0x79: {  	_ =	shalt  }
0x7a: {  	_ =	shalt  }
0x7b: {  	_ =	shalt  }
0x7c: {  	_ =	shalt  }
0x7d: {  	_ =	shalt  }
0x7e: {  	_ =	shalt  }
0x7f: {  	_ =	shalt  }
0x80: {  	_ =	shalt  }
0x81: {  	_ =	shalt  }
0x82: {  	_ =	shalt  }
0x83: {  	_ =	shalt  }
0x84: {  	_ =	shalt  }
0x85: {  	_ =	shalt  }
0x86: {  	_ =	shalt  }
0x87: {  	_ =	shalt  }
.Lfunc_end0:
.L_simem_size_0:
called_computation.1_lowered:
.L_overlay_start_0:
0x88: {  	s2 =	sld [smem:$0x3FD9]  }
0x89: {  	s3 =	sld [smem:$0x3FFE];
	_ =	sdelay $0x1  }
0x8a: {  	s1 =	srdreg.scid  }
0x8b: {  	s0 =	sand.u32 $0x1, s1  }
0x8c: {  	s17 =	sshll.u32 s0, $0xA;
	s2 =	sadd.s32 s3, s2  }
0x8d: {  	s2 =	sadd.s32 s2, s17  }
0x8e: {  	[smem:$0x3FC1] =	sst s2  }
0x8f: {  	_ = 	snop  }
0x90: {  	s2 =	sld [smem:$0x3FD0];
	(tm) =	ssettm $0x1  }
0x91: {  	s18 =	sld [smem:$0x3FFB];
	_ =	sdelay $0x3  }
0x92: {  	_ =	strace s18  }
0x93: {  	s3 =	sld [smem:$0x3FFC];
	_ =	sdelay $0x3  }
0x94: {  	_ =	strace s3  }
0x95: {  	s3 =	sld [smem:$0x3FFD];
	_ =	sdelay $0x3  }
0x96: {  	_ =	strace s3  }
0x97: {  	_ =	strace $0x8FFFFFFF  }
0x98: {  	s19 =	sld [smem:$0x3FDB];
	_ =	sdelay $0x1  }
0x99: {  	s4 =	simm.s32 $_scs_section_size  }
0x9a: {  	s5 =	simm.s32 $_size__tile_overlayer_lowered;
	s6 =	simm.s32 $_tile_overlayer_lowered  }
0x9b: {  	s22 =	simm.s32 $0x1BFF;
	s21 =	sshll.u32 s6, $0x1;
	s3 =	sadd.s32 s4, s19  }
0x9c: {  	s7 =	simm.s32 $0x0;
	s20 =	sshll.u32 s5, $0x1;
	s5 =	sadd.s32 s21, s3  }
0x9d: {  	[timem:s7], [sflag:s22] =	dma.local [hbm:s5], s20  }
0x9e: {  	_ =	swait.ge [sflag:s22], s20  }
0x9f: {  	s4 =	ssub.s32 $0x0, s20;
	[sflag:s22] =	ssyncset.done $0x0  }
0xa0: {  	[sflag:s22] =	ssyncadd.s32 s4;
	_ =	sdelay $0x1  }
0xa1: {  	s23 =	simm.s32 $0x1B8B  }
0xa2: {  	_ =	swait.ge [sflag:s23], $0x1  }
0xa3: {  	[sflag:s23] =	ssyncset.done $0x0  }
0xa4: {  	s25 =	simm.s32 $0x1B8E;
	s24 =	sld [smem:$0x3FFE];
	[sflag:s23] =	ssyncadd.s32 $0xFFFFFFFF  }
0xa5: {  	s26 =	simm.s32 $execute0_lowered;
	[smem:$0x3FD2] =	sst s25  }
0xa6: {  	s5 =	sshll.u32 s26, $0x1;
	_ =	strace $0x80000049;
	[dreg:$0x1] =	wrdreg $0xFFFFFFFF  }
0xa7: {  	s28 =	simm.s32 $_size_execute0_lowered;
	s3 =	sadd.s32 s3, s5;
	[dreg:$0x0] =	wrdreg $0x0  }
0xa8: {  	s5 =	sshll.u32 s28, $0x1;
	[dreg:$0x2] =	wrdreg s3  }
0xa9: {  	[dreg:$0x3] =	wrdreg s5  }
0xaa: {  	[dreg:$0x4] =	wrdreg $0xC0  }
0xab: {  	_ =	task [dreg:s7], $0x5FFFF  }
0xac: {  	[dreg:$0x1] =	wrdreg $0xFFFFFFFF  }
0xad: {  	[dreg:$0x0] =	wrdreg $0x60  }
0xae: {  	[dreg:$0x2] =	wrdreg s24  }
0xaf: {  	[dreg:$0x3] =	wrdreg s2  }
0xb0: {  	[dreg:$0x4] =	wrdreg $0xE0000  }
0xb1: {  	[dreg:$0x5] =	wrdreg $0x9  }
0xb2: {  	_ =	task.clear_ibuf [dreg:s7], $0x6FFFF;
	_ =	strace $0x90000049  }
0xb3: {  	s29 =	simm.s32 $0x9;
	_ =	strace $0x8000004B  }
0xb4: {  	_ =	swait.ge [sflag:s29], $0x1  }
0xb5: {  	[sflag:s29] =	ssyncadd.s32 $0xFFFFFFFF  }
0xb6: {  	_ =	strace $0x9000004B  }
0xb7: {  	_ =	sfence  }
0xb8: {  	s30 =	sld [smem:$0x0];
	_ =	sdelay $0x2  }
0xb9: {  	s31 =	sshll.u32 s1, $0xD;
	s1 =	sshrl.u32 s1, $0x2  }
0xba: {  	s3 =	sand.u32 $0x4000, s31;
	s1 =	sadd.s32 s1, s30  }
0xbb: {  	s0 =	sor.u32 s3, s0;
	s1 =	sshll.u32 s1, $0x11  }
0xbc: {  	s0 =	sor.u32 s1, s0  }
0xbd: {  	s0 =	sadd.s32 $0x8F2B, s0  }
0xbe: {  	[sflag:s0] =	ssyncadd.remote.s32 $0x1  }
0xbf: {  	_ =	sfence.sel $0xFFFF  }
0xc0: {  	[dreg:$0x0] =	wrdreg $0xFFFFFFFF;
	(pc) =	sbr.abs _section_cstart, $3  }
0xc1: {  	[dreg:$0x1] =	wrdreg $0xFFFFFFFF  }
0xc2: {  	_ =	task.clear_ibuf [dreg:s7], $0x2FFFF;
	_ =	strace $0x9FFFFFFF  }
0xc3: {  	(tm) =	ssettm $0x7FFFFFFF  }
tec
execute0_lowered:
.L_overlay_start_1:
0x0: {  	(tag) =	ssettag $0x1  }
0x1: {  	s0 =	rddreg [dreg:$0x0]  }
0x2: {  	s1 =	rddreg [dreg:$0x1]  }
0x3: {  	s2 =	rddreg [dreg:$0x2]  }
0x4: {  	s3 =	simm.s32 $0x0;
	s10 =	stileid.u32;
	s4 =	srdreg.scid  }
0x5: {  	s26 =	simm.s32 $0x80;
	s28 =	simm.s32 $0xC000;
	s6 =	smul.u32 $0xA00, s10  }
0x6: {  	s29 =	simm.s32 $0x1;
	s30 =	simm.s32 $0x2;
	s5 =	smul.u32 $0x28000, s10  }
0x7: {  	[smem:$0x7FF] =	sst s3;
	s23 =	sand.u32 $0x1, s4;
	s18 =	smul.u32 $0xA000, s10  }
0x8: {  	s4 =	sadd.s32 $0xC400, s0;
	_ =	strace $0x8000004A;
	s24 =	smul.u32 $0xA0000, s23  }
0x9: {  	s8 =	ssub.s32 $0x2, s23;
	s25 =	smul.u32 $0x2800, s23;
	p0 =	seq.s32 s23, $0x0  }
0xa: {  	s23 =	simm.s32 $0xA000;
	s7 =	sadd.s32 s6, s0;
	s0 =	sadd.s32 $0xE7400, s0  }
0xb: {  	s9 =	sshrl.u32 s8, $0x1;
	s5 =	sshrl.u32 s5, $0x2;
	s1 =	sadd.s32 s1, s6  }
0xc: {  	s15 =	sadd.s32 $0x2000, s18;
	s19 =	sadd.s32 $0x4000, s18;
	s20 =	sadd.s32 $0x6000, s18  }
0xd: {  	s21 =	sadd.s32 $0x8000, s18;
	s9 =	ssub.s32 s8, s9;
	s5 =	sadd.s32 s5, s2  }
0xe: {  	[dreg:$0x4] =	wrdreg s1;
	s22 =	sadd.s32 $0x2400, s7;
	s8 =	sadd.s32 s18, s2  }
0xf: {  	s13 =	sadd.s32 s24, s18;
	s16 =	sadd.s32 s24, s15;
	s15 =	sadd.s32 s15, s2  }
0x10: {  	s17 =	sadd.s32 s19, s2;
	s19 =	sadd.s32 s24, s19;
	s1 =	sadd.s32 s24, s21  }
0x11: {  	s21 =	sadd.s32 s21, s2;
	v0 =	vmov s25;
	s25 =	simm.s32 $0x0;
	[dreg:$0x5] =	wrdreg s22  }
0x12: {  	s9 =	smax.u32 s9, $0x1;
	s10 =	sadd.s32 $0x2000, s5;
	s11 =	sadd.s32 $0x4000, s5  }
0x13: {  	s12 =	sadd.s32 $0x6000, s5;
	s14 =	sshrl.u32 s13, $0x3;
	s13 =	sadd.s32 $0x8000, s5  }
0x14: {  	s16 =	sshrl.u32 s16, $0x3;
	s19 =	sshrl.u32 s19, $0x3;
	s22 =	sadd.s32 s24, s20  }
0x15: {  	s1 =	sshrl.u32 s1, $0x3;
	s24 =	simm.s32 $0x3;
	s14 =	sadd.s32 s0, s14  }
0x16: {  	s16 =	sadd.s32 s0, s16;
	s18 =	sadd.s32 s0, s19;
	s31 =	sshrl.u32 s22, $0x3  }
0x17: {  	v1 =	vimm.f32 $0.0e+00;
	s19 =	sadd.s32 s20, s2;
	s22 =	sadd.s32 s0, s1;
	s20 =	sadd.s32 s0, s31  }
.LBB2_1:
0x18: {  	s0 =	sand.u32 $0x7F00, s3  }
0x19: {  	s1 =	sand.u32 $0x30, s3;
	s6 =	sshrl.u32 s0, $0x2  }
0x1a: {  	s0 =	simm.s32 $0x40;
	s6 =	sor.u32 s1, s6;
	s1 =	simm.s32 $0x0  }
.LBB2_2:
0x1b: {  	p1 =	sne.s32 s0, $0x7FC0  }
0x1c: {  	[tilespmem:s6+$0xA000] =	vst v1;
	s1 =	sadd.s32 $0x10, s1;
	s6 =	smov.u32 s0;
	s0 =	sadd.s32 $0x40, s0  }
.Ltmp0:
0x1d: {  	(pc) =	sbr.rel @p1 .LBB2_2-.Ltmp0, $4  }
0x1e: {  	_ = 	snop  }
0x1f: {  	s6 =	sand.u32 $0x7F00, s6  }
0x20: {  	s31 =	sand.u32 $0x30, s1;
	s6 =	sshrl.u32 s6, $0x2  }
0x21: {  	s6 =	sor.u32 s31, s6  }
0x22: {  	[tilespmem:s6+$0xA000] =	vst v1  }
0x23: {  	[spmem:s5] =	stream.linear.scatter [tilespmem:s23], [sflag:$0x3], $0x2000, $0x38;
	[tilespmem:$0x18000] =	vst v63  }
0x24: {  	_ =	swait.ge [sflag:s24], $0x2000  }
0x25: {  	[sflag:s24] =	ssyncset.done $0x0  }
0x26: {  	[sflag:s24] =	ssyncadd.s32 $0xFFFFE000  }
0x27: {  	[spmem:s10] =	stream.linear.scatter [tilespmem:s23], [sflag:$0x3], $0x2000, $0x38;
	[tilespmem:$0x18000] =	vst v63  }
0x28: {  	_ =	swait.ge [sflag:s24], $0x2000  }
0x29: {  	[sflag:s24] =	ssyncset.done $0x0  }
0x2a: {  	[sflag:s24] =	ssyncadd.s32 $0xFFFFE000  }
0x2b: {  	[spmem:s11] =	stream.linear.scatter [tilespmem:s23], [sflag:$0x3], $0x2000, $0x38;
	[tilespmem:$0x18000] =	vst v63  }
0x2c: {  	_ =	swait.ge [sflag:s24], $0x2000  }
0x2d: {  	[sflag:s24] =	ssyncset.done $0x0  }
0x2e: {  	[sflag:s24] =	ssyncadd.s32 $0xFFFFE000  }
0x2f: {  	[spmem:s12] =	stream.linear.scatter [tilespmem:s23], [sflag:$0x3], $0x2000, $0x38;
	[tilespmem:$0x18000] =	vst v63  }
0x30: {  	_ =	swait.ge [sflag:s24], $0x2000  }
0x31: {  	[sflag:s24] =	ssyncset.done $0x0  }
0x32: {  	[sflag:s24] =	ssyncadd.s32 $0xFFFFE000  }
0x33: {  	[spmem:s13] =	stream.linear.scatter [tilespmem:s23], [sflag:$0x3], $0x2000, $0x38;
	[tilespmem:$0x18000] =	vst v63  }
0x34: {  	_ =	swait.ge [sflag:s24], $0x2000  }
0x35: {  	[sflag:s24] =	ssyncset.done $0x0  }
0x36: {  	s0 =	simm.s32 $0x0;
	s1 =	rddreg [dreg:$0x4];
	[sflag:s24] =	ssyncadd.s32 $0xFFFFE000  }
0x37: {  	[tilespmem:s0], [sflag:$0x3] =	stream.linear.gather [hbm4b:s1+s0], $0x5000, $0x38;
	[tilespmem:$0x18000] =	vst v63  }
0x38: {  	_ =	swait.ge [sflag:s24], $0x5000  }
0x39: {  	s31 =	simm.s32 $0x5000;
	[sflag:s24] =	ssyncset.done $0x0  }
.Ltmp1:
0x3a: {  	s7 =	rddreg [dreg:$0x5];
	[sflag:s24] =	ssyncadd.s32 $0xFFFFB000;
	(pc) =	sbr.rel @p0 .LBB2_7-.Ltmp1, $4  }
0x3b: {  	[tilespmem:s31], [sflag:$0x3] =	stream.linear.gather [hbm4b:s7+s0], $0x5000, $0x38;
	[tilespmem:$0x18000] =	vst v63  }
0x3c: {  	_ =	swait.ge [sflag:s24], $0x5000  }
0x3d: {  	[sflag:s24] =	ssyncset.done $0x0  }
0x3e: {  	[sflag:s24] =	ssyncadd.s32 $0xFFFFB000  }
0x3f: {  	s1 =	sand.u32 $0x1FE00, s0  }
0x40: {  	s6 =	sand.u32 $0x70, s0;
	s1 =	sshrl.u32 s1, $0x2  }
0x41: {  	s31 =	sor.u32 s6, s1  }
0x42: {  	v2 =	vld [tilespmem:s31+$0x0];
	_ =	sdelay $0x2  }
0x43: {  	s7 =	sadd.s32 $0x40, s0  }
0x44: {  	s0 =	sadd.s32 $0x10, s0;
	s6 =	sand.u32 $0x1FE00, s7;
	s1 =	sadd.s32 $0x40, s7  }
.LBB2_5:
0x45: {  	p1 =	sne.s32 s1, $0x13FC0;
	s7 =	sand.u32 $0x70, s0;
	s6 =	sshrl.u32 s6, $0x2;
	v2 =	vadd.s32 v0, v2  }
0x46: {  	[tilespmem:s31+$0x0] =	vst v2;
	s31 =	sor.u32 s7, s6  }
.Ltmp2:
0x47: {  	v2 =	vld [tilespmem:s31+$0x0];
	(pc) =	sbr.rel @p1 .LBB2_5-.Ltmp2, $2  }
0x48: {  	_ =	sdelay $0x2  }
0x49: {  	s0 =	sadd.s32 $0x10, s0;
	s6 =	sand.u32 $0x1FE00, s1;
	s1 =	sadd.s32 $0x40, s1  }
0x4a: {  	s0 =	sand.u32 $0x70, s0;
	s1 =	sshrl.u32 s6, $0x2;
	v2 =	vadd.s32 v0, v2  }
0x4b: {  	s0 =	sor.u32 s0, s1;
	[tilespmem:s31+$0x0] =	vst v2  }
0x4c: {  	v2 =	vld [tilespmem:s0+$0x0];
	_ =	sdelay $0x4  }
0x4d: {  	v2 =	vadd.s32 v0, v2  }
0x4e: {  	[tilespmem:s0+$0x0] =	vst v2  }
.LBB2_7:
0x4f: {  	[bflag:$0x0] =	sbarrier.arrive $0xFFFF;
	s0 =	simm.s32 $0x0  }
0x50: {  	[tilespmem:s23], [sflag:$0x1] =	stream.indirect.gather [hbm4b:s4+s26], $0x40, s0, s26, $0xb8;
	[tilespmem:$0x18000] =	vst v63  }
0x51: {  	s7 =	simm.s32 $0x80  }
0x52: {  	[tilespmem:s28], [sflag:$0x2] =	stream.indirect.gather [hbm4b:s4+s26], $0x40, s7, s26, $0xb8;
	[tilespmem:$0x18000] =	vst v63  }
0x53: {  	_ =	swait.ge [sflag:s29], $0x2000  }
0x54: {  	[sflag:s29] =	ssyncset.done $0x0  }
0x55: {  	s1 =	simm.s32 $0x5000;
	[sflag:s29] =	ssyncadd.s32 $0xFFFFE000  }
0x56: {  	[spmem:s2] =	stream.indirect.scatter.add.f32 [tilespmem:s23], [sflag:$0x3], $0x40, s1, s26, $0xb8;
	[tilespmem:$0x18000] =	vst v63  }
0x57: {  	_ =	swait.ge [sflag:s24], $0x2000  }
0x58: {  	[sflag:s24] =	ssyncset.done $0x0  }
0x59: {  	s6 =	simm.s32 $0x100;
	[sflag:s24] =	ssyncadd.s32 $0xFFFFE000  }
0x5a: {  	[tilespmem:s23], [sflag:$0x1] =	stream.indirect.gather [hbm4b:s4+s26], $0x40, s6, s26, $0xb8;
	[tilespmem:$0x18000] =	vst v63  }
0x5b: {  	_ =	swait.ge [sflag:s30], $0x2000  }
0x5c: {  	[sflag:s30] =	ssyncset.done $0x0  }
0x5d: {  	s7 =	simm.s32 $0x5080;
	[sflag:s30] =	ssyncadd.s32 $0xFFFFE000  }
0x5e: {  	[spmem:s2] =	stream.indirect.scatter.add.f32 [tilespmem:s28], [sflag:$0x3], $0x40, s7, s26, $0xb8;
	[tilespmem:$0x18000] =	vst v63  }
0x5f: {  	_ =	swait.ge [sflag:s24], $0x2000  }
0x60: {  	s31 =	simm.s32 $0x100;
	s0 =	simm.s32 $0x800;
	[sflag:s24] =	ssyncset.done $0x0  }
.LBB2_8:
0x61: {  	s1 =	sadd.s32 $0x80, s31  }
0x62: {  	[sflag:s24] =	ssyncadd.s32 $0xFFFFE000;
	s6 =	smov.u32 s0;
	s7 =	sadd.s32 $0x400, s0  }
0x63: {  	[tilespmem:s28], [sflag:$0x2] =	stream.indirect.gather [hbm4b:s4+s26], $0x40, s1, s26, $0xb8;
	[tilespmem:$0x18000] =	vst v63  }
0x64: {  	p1 =	sne.s32 s0, $0x13800;
	_ =	swait.ge [sflag:s29], $0x2000  }
0x65: {  	[sflag:s29] =	ssyncset.done $0x0  }
0x66: {  	s0 =	sadd.s32 $0x5000, s31;
	[sflag:s29] =	ssyncadd.s32 $0xFFFFE000  }
0x67: {  	[spmem:s2] =	stream.indirect.scatter.add.f32 [tilespmem:s23], [sflag:$0x3], $0x40, s0, s26, $0xb8;
	[tilespmem:$0x18000] =	vst v63  }
0x68: {  	_ =	swait.ge [sflag:s24], $0x2000  }
0x69: {  	[sflag:s24] =	ssyncset.done $0x0  }
0x6a: {  	s0 =	sadd.s32 $0x100, s31;
	[sflag:s24] =	ssyncadd.s32 $0xFFFFE000  }
0x6b: {  	[tilespmem:s23], [sflag:$0x1] =	stream.indirect.gather [hbm4b:s4+s26], $0x40, s0, s26, $0xb8;
	[tilespmem:$0x18000] =	vst v63  }
0x6c: {  	_ =	swait.ge [sflag:s30], $0x2000  }
.Ltmp3:
0x6d: {  	[sflag:s30] =	ssyncset.done $0x0;
	(pc) =	sbr.rel @p1 .LBB2_8-.Ltmp3, $4  }
0x6e: {  	s0 =	sadd.s32 $0x5080, s31;
	[sflag:s30] =	ssyncadd.s32 $0xFFFFE000  }
0x6f: {  	[spmem:s2] =	stream.indirect.scatter.add.f32 [tilespmem:s28], [sflag:$0x3], $0x40, s0, s26, $0xb8;
	[tilespmem:$0x18000] =	vst v63  }
0x70: {  	_ =	swait.ge [sflag:s24], $0x2000  }
0x71: {  	s31 =	sshra.s32 s6, $0x2;
	s0 =	smov.u32 s7;
	[sflag:s24] =	ssyncset.done $0x0  }
0x72: {  	s0 =	sadd.s32 $0x80, s31;
	[sflag:s24] =	ssyncadd.s32 $0xFFFFE000  }
0x73: {  	[tilespmem:s28], [sflag:$0x2] =	stream.indirect.gather [hbm4b:s4+s26], $0x40, s0, s26, $0xb8;
	[tilespmem:$0x18000] =	vst v63  }
0x74: {  	_ =	swait.ge [sflag:s29], $0x2000  }
0x75: {  	[sflag:s29] =	ssyncset.done $0x0  }
0x76: {  	s6 =	sadd.s32 $0x5000, s31;
	[sflag:s29] =	ssyncadd.s32 $0xFFFFE000  }
0x77: {  	[spmem:s2] =	stream.indirect.scatter.add.f32 [tilespmem:s23], [sflag:$0x3], $0x40, s6, s26, $0xb8;
	[tilespmem:$0x18000] =	vst v63  }
0x78: {  	_ =	swait.ge [sflag:s24], $0x2000  }
0x79: {  	[sflag:s24] =	ssyncset.done $0x0  }
0x7a: {  	s7 =	sadd.s32 $0x100, s31;
	[sflag:s24] =	ssyncadd.s32 $0xFFFFE000  }
0x7b: {  	[tilespmem:s23], [sflag:$0x1] =	stream.indirect.gather [hbm4b:s4+s26], $0x40, s7, s26, $0xb8;
	[tilespmem:$0x18000] =	vst v63  }
0x7c: {  	_ =	swait.ge [sflag:s30], $0x2000  }
0x7d: {  	[sflag:s30] =	ssyncset.done $0x0  }
0x7e: {  	s1 =	sadd.s32 $0x5080, s31;
	[sflag:s30] =	ssyncadd.s32 $0xFFFFE000  }
0x7f: {  	[spmem:s2] =	stream.indirect.scatter.add.f32 [tilespmem:s28], [sflag:$0x3], $0x40, s1, s26, $0xb8;
	[tilespmem:$0x18000] =	vst v63  }
0x80: {  	_ =	swait.ge [sflag:s24], $0x2000  }
0x81: {  	[sflag:s24] =	ssyncset.done $0x0  }
0x82: {  	s6 =	simm.s32 $0x4F80;
	[sflag:s24] =	ssyncadd.s32 $0xFFFFE000  }
0x83: {  	[tilespmem:s28], [sflag:$0x2] =	stream.indirect.gather [hbm4b:s4+s26], $0x40, s6, s26, $0xb8;
	[tilespmem:$0x18000] =	vst v63  }
0x84: {  	_ =	swait.ge [sflag:s29], $0x2000  }
0x85: {  	[sflag:s29] =	ssyncset.done $0x0  }
0x86: {  	s7 =	simm.s32 $0x9F00;
	[sflag:s29] =	ssyncadd.s32 $0xFFFFE000  }
0x87: {  	[spmem:s2] =	stream.indirect.scatter.add.f32 [tilespmem:s23], [sflag:$0x3], $0x40, s7, s26, $0xb8;
	[tilespmem:$0x18000] =	vst v63  }
0x88: {  	_ =	swait.ge [sflag:s24], $0x2000  }
0x89: {  	[sflag:s24] =	ssyncset.done $0x0  }
0x8a: {  	[sflag:s24] =	ssyncadd.s32 $0xFFFFE000  }
0x8b: {  	_ =	swait.ge [sflag:s30], $0x2000  }
0x8c: {  	[sflag:s30] =	ssyncset.done $0x0  }
0x8d: {  	s31 =	simm.s32 $0x9F80;
	[sflag:s30] =	ssyncadd.s32 $0xFFFFE000  }
0x8e: {  	[spmem:s2] =	stream.indirect.scatter.add.f32 [tilespmem:s28], [sflag:$0x3], $0x40, s31, s26, $0xb8;
	[tilespmem:$0x18000] =	vst v63  }
0x8f: {  	_ =	swait.ge [sflag:s24], $0x2000  }
0x90: {  	[sflag:s24] =	ssyncset.done $0x0  }
0x91: {  	[sflag:s24] =	ssyncadd.s32 $0xFFFFE000  }
0x92: {  	[bflag:$0x0] =	sbarrier.arrive $0xFFFF  }
0x93: {  	[tilespmem:s23], [sflag:$0x3] =	stream.linear.gather [spmem:s8], $0x2000, $0x38;
	[tilespmem:$0x18000] =	vst v63  }
0x94: {  	_ =	swait.ge [sflag:s24], $0x2000  }
0x95: {  	[sflag:s24] =	ssyncset.done $0x0  }
0x96: {  	[sflag:s24] =	ssyncadd.s32 $0xFFFFE000  }
0x97: {  	[hbm4b:s14+s3] =	stream.linear.scatter [tilespmem:s23], [sflag:$0x3], $0x2000, $0x38;
	[tilespmem:$0x18000] =	vst v63  }
0x98: {  	_ =	swait.ge [sflag:s24], $0x2000  }
0x99: {  	[sflag:s24] =	ssyncset.done $0x0  }
0x9a: {  	[sflag:s24] =	ssyncadd.s32 $0xFFFFE000  }
0x9b: {  	[tilespmem:s23], [sflag:$0x3] =	stream.linear.gather [spmem:s15], $0x2000, $0x38;
	[tilespmem:$0x18000] =	vst v63  }
0x9c: {  	_ =	swait.ge [sflag:s24], $0x2000  }
0x9d: {  	[sflag:s24] =	ssyncset.done $0x0  }
0x9e: {  	[sflag:s24] =	ssyncadd.s32 $0xFFFFE000  }
0x9f: {  	[hbm4b:s16+s3] =	stream.linear.scatter [tilespmem:s23], [sflag:$0x3], $0x2000, $0x38;
	[tilespmem:$0x18000] =	vst v63  }
0xa0: {  	_ =	swait.ge [sflag:s24], $0x2000  }
0xa1: {  	[sflag:s24] =	ssyncset.done $0x0  }
0xa2: {  	[sflag:s24] =	ssyncadd.s32 $0xFFFFE000  }
0xa3: {  	[tilespmem:s23], [sflag:$0x3] =	stream.linear.gather [spmem:s17], $0x2000, $0x38;
	[tilespmem:$0x18000] =	vst v63  }
0xa4: {  	_ =	swait.ge [sflag:s24], $0x2000  }
0xa5: {  	[sflag:s24] =	ssyncset.done $0x0  }
0xa6: {  	[sflag:s24] =	ssyncadd.s32 $0xFFFFE000  }
0xa7: {  	[hbm4b:s18+s3] =	stream.linear.scatter [tilespmem:s23], [sflag:$0x3], $0x2000, $0x38;
	[tilespmem:$0x18000] =	vst v63  }
0xa8: {  	_ =	swait.ge [sflag:s24], $0x2000  }
0xa9: {  	[sflag:s24] =	ssyncset.done $0x0  }
0xaa: {  	[sflag:s24] =	ssyncadd.s32 $0xFFFFE000  }
0xab: {  	[tilespmem:s23], [sflag:$0x3] =	stream.linear.gather [spmem:s19], $0x2000, $0x38;
	[tilespmem:$0x18000] =	vst v63  }
0xac: {  	_ =	swait.ge [sflag:s24], $0x2000  }
0xad: {  	[sflag:s24] =	ssyncset.done $0x0  }
0xae: {  	[sflag:s24] =	ssyncadd.s32 $0xFFFFE000  }
0xaf: {  	[hbm4b:s20+s3] =	stream.linear.scatter [tilespmem:s23], [sflag:$0x3], $0x2000, $0x38;
	[tilespmem:$0x18000] =	vst v63  }
0xb0: {  	_ =	swait.ge [sflag:s24], $0x2000  }
0xb1: {  	[sflag:s24] =	ssyncset.done $0x0  }
0xb2: {  	[sflag:s24] =	ssyncadd.s32 $0xFFFFE000  }
0xb3: {  	[tilespmem:s23], [sflag:$0x3] =	stream.linear.gather [spmem:s21], $0x2000, $0x38;
	[tilespmem:$0x18000] =	vst v63  }
0xb4: {  	s25 =	sadd.s32 $0x1, s25;
	_ =	swait.ge [sflag:s24], $0x2000  }
0xb5: {  	p1 =	sne.s32 s25, s9;
	[sflag:s24] =	ssyncset.done $0x0  }
.Ltmp4:
0xb6: {  	[sflag:s24] =	ssyncadd.s32 $0xFFFFE000;
	(pc) =	sbr.rel @p1 .LBB2_1-.Ltmp4, $4  }
0xb7: {  	[hbm4b:s22+s3] =	stream.linear.scatter [tilespmem:s23], [sflag:$0x3], $0x2000, $0x38;
	[tilespmem:$0x18000] =	vst v63  }
0xb8: {  	_ =	swait.ge [sflag:s24], $0x2000  }
0xb9: {  	[sflag:s24] =	ssyncset.done $0x0  }
0xba: {  	[sflag:s24] =	ssyncadd.s32 $0xFFFFE000  }
0xbb: {  	_ =	sfence.sel $0x180000  }
0xbc: {  	[bflag:$0x0] =	sbarrier.arrive $0xFFFF  }
0xbd: {  	_ =	strace $0x9000004A  }
0xbe: {  	s0 =	stileid.u32;
	[bflag:$0x2] =	sbarrier.arrive $0xFFFF  }
0xbf: {  	p0 =	sne.s32 s0, $0x0;
	s0 =	rddreg [dreg:$0x3]  }
0xc0: {  	s0 =	sadd.s32 @!p0 $0x100000, s0  }
0xc1: {  	[sflag:s0] =	ssyncadd.tile.s32 @!p0 $0x1;
	_ =	shalt  }
.Lfunc_end2:
_tile_overlayer_lowered:
.L_overlay_start_2:
0xc2: {  	(tag) =	ssettag $0x2  }
0xc3: {  	s0 =	rddreg [dreg:$0x0];
	s2 =	stileid.u32  }
0xc4: {  	s1 =	rddreg [dreg:$0x1];
	p0 =	sne.s32 s2, $0x0  }
0xc5: {  	s3 =	rddreg [dreg:$0x2];
	[bflag:$0x3] =	sbarrier.arrive $0xFFFF;
	s2 =	simm.s32 @!p0 $0x1C03  }
0xc6: {  	[timem:s3], [sflag:s2] =	dma.local @!p0 [hbm:s0], s1  }
0xc7: {  	s0 =	simm.s32 @!p0 $0x3  }
0xc8: {  	_ =	swait.ge @!p0 [sflag:s0], s1  }
0xc9: {  	s1 =	ssub.s32 @!p0 $0x0, s1;
	[sflag:s0] =	ssyncset.done @!p0 $0x0  }
0xca: {  	[sflag:s0] =	ssyncadd.s32 @!p0 s1  }
0xcb: {  	[bflag:$0x3] =	sbarrier.arrive $0xFFFF  }
0xcc: {  	_ =	shalt  }

// kernel: kernel.14.cloned.1.call-start
scs
__scs_entry_jumppad:
0x0: {  	(pc) =	sbr.rel $0x88, $3  }
0x1: {  	(tag) =	ssettag $0x0;
	lr =	simm.s32 $0x1  }
0x2: {  	[smem:$0x3F9A] =	sst lr;
	_ =	strace $0xD0000000  }
0x3: {  	_ = 	snop  }
0x4: {  	_ = 	snop  }
0x5: {  	_ = 	snop  }
0x6: {  	_ = 	snop  }
0x7: {  	_ = 	snop  }
__scs_overlays_trampoline_lowered:
0x8: {  	[smem:$0x3FA9] =	sst s0  }
0x9: {  	[smem:$0x3FAA] =	sst s1  }
0xa: {  	[smem:$0x3FAB] =	sst s2  }
0xb: {  	[smem:$0x3FAC] =	sst s3  }
0xc: {  	[smem:$0x3FAD] =	sst s4  }
0xd: {  	[smem:$0x3FAE] =	sst s5  }
0xe: {  	[smem:$0x3FAF] =	sst s6  }
0xf: {  	[smem:$0x3FB0] =	sst s7  }
0x10: {  	[smem:$0x3FB1] =	sst s8  }
0x11: {  	[smem:$0x3FB2] =	sst s9;
	s0 =	simm.s32 @!p0 $0x0  }
0x12: {  	s1 =	sld [smem:$0x3F98];
	s0 =	simm.s32 @p0 $0x1  }
0x13: {  	[smem:$0x3FB3] =	sst s0;
	s0 =	simm.s32 @!p1 $0x0  }
0x14: {  	s2 =	sld [smem:$0x3F97];
	s0 =	simm.s32 @p1 $0x1  }
0x15: {  	[smem:$0x3FB4] =	sst s0;
	s0 =	simm.s32 @!p2 $0x0  }
0x16: {  	s3 =	sld [smem:$0x3FDB];
	s0 =	simm.s32 @p2 $0x1  }
0x17: {  	s4 =	simm.s32 $0x1BF5;
	[smem:$0x3FB6] =	sst s0  }
0x18: {  	s0 =	sld [smem:$0x3F99];
	_ =	swait.ge [sflag:s4], $0x0  }
0x19: {  	s7 =	sld [smem:$0x3F9A]  }
0x1a: {  	s8 =	sadd.s32 $0xFFFFE003, lr  }
0x1b: {  	s9 =	sadd.s32 $0xFFFFFEF7, lr;
	s5 =	simm.s32 $0xFFFFFFFF;
	p2 =	slt.u32 s8, $0xFFFFF086  }
0x1c: {  	p1 =	slt.u32 s9, $0xF7A;
	s5 =	simm.s32 @!p2 $0x0  }
0x1d: {  	s5 =	simm.s32 @p1 $0x1;
	p0 =	seq.s32 s7, s2  }
0x1e: {  	s7 =	smul.u32 @!p0 $0xF7A, s2;
	p2 =	seq.s32 @!p0 s5, $0x0  }
0x1f: {  	s9 =	smul.u32 $0xF7A, s1;
	s8 =	simm.s32 @!p0 $0x1BF5;
	p2 =	por !p2, p0  }
0x20: {  	[sflag:s8] =	ssyncset.s32 @!p0 $0xFFFFF086;
	s6 =	sadd.s32 @!p0 s3, s7;
	s7 =	simm.s32 @!p0 $0x108  }
0x21: {  	s3 =	sadd.s32 s3, s9;
	s6 =	sadd.s32 @!p0 $0x88, s6;
	s7 =	simm.s32 @p2 $0x1082  }
0x22: {  	[simem:s7], [sflag:s8] =	dma.local @!p0 [hbm:s6], $0xF7A  }
0x23: {  	s9 =	sor.u32 $0xD0000000, s2;
	s6 =	simm.s32 $0x108;
	_ =	swait.ge @!p0 [sflag:s8], $0x0  }
0x24: {  	s3 =	sadd.s32 $0x88, s3;
	s6 =	simm.s32 @!p1 $0x1082;
	[sflag:s4] =	ssyncset.s32 $0xFFFFF086  }
0x25: {  	[simem:s6], [sflag:s4] =	dma.local [hbm:s3], $0xF7A  }
0x26: {  	[smem:$0x3F9A] =	sst s1;
	(tag) =	ssettag s2;
	_ =	strace s9  }
0x27: {  	s1 =	sld [smem:$0x3FAA]  }
0x28: {  	s2 =	sld [smem:$0x3FAB]  }
0x29: {  	s4 =	sld [smem:$0x3FAD]  }
0x2a: {  	p0 =	seq.s32 s5, $0x0;
	s5 =	sld [smem:$0x3FAE]  }
0x2b: {  	s6 =	sld [smem:$0x3FAF]  }
0x2c: {  	s7 =	sld [smem:$0x3FB0]  }
0x2d: {  	s3 =	simm.s32 $0x108;
	s8 =	sld [smem:$0x3FB1]  }
0x2e: {  	s3 =	simm.s32 @!p0 $0x1082;
	s9 =	sld [smem:$0x3FB2]  }
0x2f: {  	lr =	sadd.s32 s0, s3;
	s0 =	sld [smem:$0x3FA9]  }
0x30: {  	s3 =	sld [smem:$0x3FAC]  }
0x31: {  	[smem:$0x3FB5] =	sst s10  }
0x32: {  	s10 =	sld [smem:$0x3FB3];
	_ =	sdelay $0x3  }
0x33: {  	p0 =	seq.s32 s10, $0x1;
	s10 =	sld [smem:$0x3FB5];
	_ =	sdelay $0x3  }
0x34: {  	[smem:$0x3FB5] =	sst s10  }
0x35: {  	s10 =	sld [smem:$0x3FB4];
	_ =	sdelay $0x3  }
0x36: {  	p1 =	seq.s32 s10, $0x1;
	s10 =	sld [smem:$0x3FB5];
	_ =	sdelay $0x3  }
0x37: {  	[smem:$0x3FB5] =	sst s10  }
0x38: {  	s10 =	sld [smem:$0x3FB6]  }
0x39: {  	_ = 	snop;
	(pc) =	sbr.ind lr, $3  }
0x3a: {  	_ = 	snop  }
0x3b: {  	_ = 	snop  }
0x3c: {  	p2 =	seq.s32 s10, $0x1;
	s10 =	sld [smem:$0x3FB5]  }
0x3d: {  	_ =	shalt  }
0x3e: {  	_ =	shalt  }
0x3f: {  	_ =	shalt  }
0x40: {  	_ =	shalt  }
0x41: {  	_ =	shalt  }
0x42: {  	_ =	shalt  }
0x43: {  	_ =	shalt  }
0x44: {  	_ =	shalt  }
0x45: {  	_ =	shalt  }
0x46: {  	_ =	shalt  }
0x47: {  	_ =	shalt  }
0x48: {  	_ =	shalt  }
0x49: {  	_ =	shalt  }
0x4a: {  	_ =	shalt  }
0x4b: {  	_ =	shalt  }
0x4c: {  	_ =	shalt  }
0x4d: {  	_ =	shalt  }
0x4e: {  	_ =	shalt  }
0x4f: {  	_ =	shalt  }
0x50: {  	_ =	shalt  }
0x51: {  	_ =	shalt  }
0x52: {  	_ =	shalt  }
0x53: {  	_ =	shalt  }
0x54: {  	_ =	shalt  }
0x55: {  	_ =	shalt  }
0x56: {  	_ =	shalt  }
0x57: {  	_ =	shalt  }
0x58: {  	_ =	shalt  }
0x59: {  	_ =	shalt  }
0x5a: {  	_ =	shalt  }
0x5b: {  	_ =	shalt  }
0x5c: {  	_ =	shalt  }
0x5d: {  	_ =	shalt  }
0x5e: {  	_ =	shalt  }
0x5f: {  	_ =	shalt  }
0x60: {  	_ =	shalt  }
0x61: {  	_ =	shalt  }
0x62: {  	_ =	shalt  }
0x63: {  	_ =	shalt  }
0x64: {  	_ =	shalt  }
0x65: {  	_ =	shalt  }
0x66: {  	_ =	shalt  }
0x67: {  	_ =	shalt  }
0x68: {  	_ =	shalt  }
0x69: {  	_ =	shalt  }
0x6a: {  	_ =	shalt  }
0x6b: {  	_ =	shalt  }
0x6c: {  	_ =	shalt  }
0x6d: {  	_ =	shalt  }
0x6e: {  	_ =	shalt  }
0x6f: {  	_ =	shalt  }
0x70: {  	_ =	shalt  }
0x71: {  	_ =	shalt  }
0x72: {  	_ =	shalt  }
0x73: {  	_ =	shalt  }
0x74: {  	_ =	shalt  }
0x75: {  	_ =	shalt  }
0x76: {  	_ =	shalt  }
0x77: {  	_ =	shalt  }
0x78: {  	_ =	shalt  }
0x79: {  	_ =	shalt  }
0x7a: {  	_ =	shalt  }
0x7b: {  	_ =	shalt  }
0x7c: {  	_ =	shalt  }
0x7d: {  	_ =	shalt  }
0x7e: {  	_ =	shalt  }
0x7f: {  	_ =	shalt  }
0x80: {  	_ =	shalt  }
0x81: {  	_ =	shalt  }
0x82: {  	_ =	shalt  }
0x83: {  	_ =	shalt  }
0x84: {  	_ =	shalt  }
0x85: {  	_ =	shalt  }
0x86: {  	_ =	shalt  }
0x87: {  	_ =	shalt  }
.Lfunc_end0:
.L_simem_size_0:
called_computation.2_lowered:
.L_overlay_start_0:
0x88: {  	s2 =	sld [smem:$0x3FD9]  }
0x89: {  	s3 =	sld [smem:$0x3FFE];
	_ =	sdelay $0x1  }
0x8a: {  	s1 =	srdreg.scid  }
0x8b: {  	s0 =	sand.u32 $0x1, s1  }
0x8c: {  	s17 =	sshll.u32 s0, $0xA;
	s2 =	sadd.s32 s3, s2  }
0x8d: {  	s2 =	sadd.s32 s2, s17  }
0x8e: {  	[smem:$0x3FC1] =	sst s2  }
0x8f: {  	_ = 	snop  }
0x90: {  	s2 =	sld [smem:$0x3FD0];
	(tm) =	ssettm $0x1  }
0x91: {  	s18 =	sld [smem:$0x3FFB];
	_ =	sdelay $0x3  }
0x92: {  	_ =	strace s18  }
0x93: {  	s3 =	sld [smem:$0x3FFC];
	_ =	sdelay $0x3  }
0x94: {  	_ =	strace s3  }
0x95: {  	s3 =	sld [smem:$0x3FFD];
	_ =	sdelay $0x3  }
0x96: {  	_ =	strace s3  }
0x97: {  	_ =	strace $0x8FFFFFFF  }
0x98: {  	s19 =	sld [smem:$0x3FDB];
	_ =	sdelay $0x1  }
0x99: {  	s4 =	simm.s32 $_scs_section_size  }
0x9a: {  	s5 =	simm.s32 $_size__tile_overlayer_lowered;
	s6 =	simm.s32 $_tile_overlayer_lowered  }
0x9b: {  	s22 =	simm.s32 $0x1BFF;
	s21 =	sshll.u32 s6, $0x1;
	s3 =	sadd.s32 s4, s19  }
0x9c: {  	s7 =	simm.s32 $0x0;
	s20 =	sshll.u32 s5, $0x1;
	s5 =	sadd.s32 s21, s3  }
0x9d: {  	[timem:s7], [sflag:s22] =	dma.local [hbm:s5], s20  }
0x9e: {  	_ =	swait.ge [sflag:s22], s20  }
0x9f: {  	s4 =	ssub.s32 $0x0, s20;
	[sflag:s22] =	ssyncset.done $0x0  }
0xa0: {  	[sflag:s22] =	ssyncadd.s32 s4;
	_ =	sdelay $0x1  }
0xa1: {  	s23 =	simm.s32 $0x1B8B  }
0xa2: {  	_ =	swait.ge [sflag:s23], $0x1  }
0xa3: {  	[sflag:s23] =	ssyncset.done $0x0  }
0xa4: {  	s25 =	simm.s32 $0x1B8E;
	s24 =	sld [smem:$0x3FFE];
	[sflag:s23] =	ssyncadd.s32 $0xFFFFFFFF  }
0xa5: {  	s26 =	simm.s32 $execute0_lowered;
	[smem:$0x3FD2] =	sst s25  }
0xa6: {  	s5 =	sshll.u32 s26, $0x1;
	_ =	strace $0x8000004C;
	[dreg:$0x1] =	wrdreg $0xFFFFFFFF  }
0xa7: {  	s28 =	simm.s32 $_size_execute0_lowered;
	s3 =	sadd.s32 s3, s5;
	[dreg:$0x0] =	wrdreg $0x0  }
0xa8: {  	s5 =	sshll.u32 s28, $0x1;
	[dreg:$0x2] =	wrdreg s3  }
0xa9: {  	[dreg:$0x3] =	wrdreg s5  }
0xaa: {  	[dreg:$0x4] =	wrdreg $0xC0  }
0xab: {  	_ =	task [dreg:s7], $0x5FFFF  }
0xac: {  	[dreg:$0x1] =	wrdreg $0xFFFFFFFF  }
0xad: {  	[dreg:$0x0] =	wrdreg $0x60  }
0xae: {  	[dreg:$0x2] =	wrdreg s24  }
0xaf: {  	[dreg:$0x3] =	wrdreg s2  }
0xb0: {  	[dreg:$0x4] =	wrdreg $0xC0000  }
0xb1: {  	[dreg:$0x5] =	wrdreg $0x9  }
0xb2: {  	_ =	task.clear_ibuf [dreg:s7], $0x6FFFF;
	_ =	strace $0x9000004C  }
0xb3: {  	s29 =	simm.s32 $0x9;
	_ =	strace $0x8000004E  }
0xb4: {  	_ =	swait.ge [sflag:s29], $0x1  }
0xb5: {  	[sflag:s29] =	ssyncadd.s32 $0xFFFFFFFF  }
0xb6: {  	_ =	strace $0x9000004E  }
0xb7: {  	_ =	sfence  }
0xb8: {  	s30 =	sld [smem:$0x0];
	_ =	sdelay $0x2  }
0xb9: {  	s31 =	sshll.u32 s1, $0xD;
	s1 =	sshrl.u32 s1, $0x2  }
0xba: {  	s3 =	sand.u32 $0x4000, s31;
	s1 =	sadd.s32 s1, s30  }
0xbb: {  	s0 =	sor.u32 s3, s0;
	s1 =	sshll.u32 s1, $0x11  }
0xbc: {  	s0 =	sor.u32 s1, s0  }
0xbd: {  	s0 =	sadd.s32 $0x8F2B, s0  }
0xbe: {  	[sflag:s0] =	ssyncadd.remote.s32 $0x1  }
0xbf: {  	_ =	sfence.sel $0xFFFF  }
0xc0: {  	[dreg:$0x0] =	wrdreg $0xFFFFFFFF;
	(pc) =	sbr.abs _section_cstart, $3  }
0xc1: {  	[dreg:$0x1] =	wrdreg $0xFFFFFFFF  }
0xc2: {  	_ =	task.clear_ibuf [dreg:s7], $0x2FFFF;
	_ =	strace $0x9FFFFFFF  }
0xc3: {  	(tm) =	ssettm $0x7FFFFFFF  }
tec
execute0_lowered:
.L_overlay_start_1:
0x0: {  	(tag) =	ssettag $0x1  }
0x1: {  	s0 =	rddreg [dreg:$0x0]  }
0x2: {  	s1 =	rddreg [dreg:$0x1]  }
0x3: {  	s2 =	rddreg [dreg:$0x2]  }
0x4: {  	s3 =	simm.s32 $0x0;
	s10 =	stileid.u32;
	s4 =	srdreg.scid  }
0x5: {  	s26 =	simm.s32 $0x80;
	s28 =	simm.s32 $0xB000;
	s6 =	smul.u32 $0xA00, s10  }
0x6: {  	s29 =	simm.s32 $0x1;
	s30 =	simm.s32 $0x2;
	s5 =	smul.u32 $0x14000, s10  }
0x7: {  	[smem:$0x7FF] =	sst s3;
	s23 =	sand.u32 $0x1, s4;
	s18 =	smul.u32 $0x5000, s10  }
0x8: {  	s4 =	sadd.s32 $0xC400, s0;
	_ =	strace $0x8000004D;
	s24 =	smul.u32 $0x50000, s23  }
0x9: {  	s8 =	ssub.s32 $0x2, s23;
	s25 =	smul.u32 $0x2800, s23;
	p0 =	seq.s32 s23, $0x0  }
0xa: {  	s23 =	simm.s32 $0xA000;
	s7 =	sadd.s32 s6, s0;
	s0 =	sadd.s32 $0x20400, s0  }
0xb: {  	s9 =	sshrl.u32 s8, $0x1;
	s5 =	sshrl.u32 s5, $0x2;
	s1 =	sadd.s32 s1, s6  }
0xc: {  	s15 =	sadd.s32 $0x1000, s18;
	s19 =	sadd.s32 $0x2000, s18;
	s20 =	sadd.s32 $0x3000, s18  }
0xd: {  	s21 =	sadd.s32 $0x4000, s18;
	s9 =	ssub.s32 s8, s9;
	s5 =	sadd.s32 s5, s2  }
0xe: {  	[dreg:$0x4] =	wrdreg s1;
	s22 =	sadd.s32 $0x2400, s7;
	s8 =	sadd.s32 s18, s2  }
0xf: {  	s13 =	sadd.s32 s24, s18;
	s16 =	sadd.s32 s24, s15;
	s15 =	sadd.s32 s15, s2  }
0x10: {  	s17 =	sadd.s32 s19, s2;
	s19 =	sadd.s32 s24, s19;
	s1 =	sadd.s32 s24, s21  }
0x11: {  	s21 =	sadd.s32 s21, s2;
	v0 =	vmov s25;
	s25 =	simm.s32 $0x0;
	[dreg:$0x5] =	wrdreg s22  }
0x12: {  	s9 =	smax.u32 s9, $0x1;
	s10 =	sadd.s32 $0x1000, s5;
	s11 =	sadd.s32 $0x2000, s5  }
0x13: {  	s12 =	sadd.s32 $0x3000, s5;
	s14 =	sshrl.u32 s13, $0x3;
	s13 =	sadd.s32 $0x4000, s5  }
0x14: {  	s16 =	sshrl.u32 s16, $0x3;
	s19 =	sshrl.u32 s19, $0x3;
	s22 =	sadd.s32 s24, s20  }
0x15: {  	s1 =	sshrl.u32 s1, $0x3;
	s24 =	simm.s32 $0x3;
	s14 =	sadd.s32 s0, s14  }
0x16: {  	s16 =	sadd.s32 s0, s16;
	s18 =	sadd.s32 s0, s19;
	s31 =	sshrl.u32 s22, $0x3  }
0x17: {  	v1 =	vimm.f32 $0.0e+00;
	s19 =	sadd.s32 s20, s2;
	s22 =	sadd.s32 s0, s1;
	s20 =	sadd.s32 s0, s31  }
.LBB2_1:
0x18: {  	s0 =	sand.u32 $0x3F80, s3  }
0x19: {  	s1 =	sand.u32 $0x10, s3;
	s6 =	sshrl.u32 s0, $0x2  }
0x1a: {  	s0 =	simm.s32 $0x40;
	s6 =	sor.u32 s1, s6;
	s1 =	simm.s32 $0x0  }
.LBB2_2:
0x1b: {  	p1 =	sne.s32 s0, $0x3FC0  }
0x1c: {  	[tilespmem:s6+$0xA000] =	vst v1;
	s1 =	sadd.s32 $0x10, s1;
	s6 =	smov.u32 s0;
	s0 =	sadd.s32 $0x40, s0  }
.Ltmp0:
0x1d: {  	(pc) =	sbr.rel @p1 .LBB2_2-.Ltmp0, $4  }
0x1e: {  	_ = 	snop  }
0x1f: {  	s6 =	sand.u32 $0x3F80, s6  }
0x20: {  	s31 =	sand.u32 $0x10, s1;
	s6 =	sshrl.u32 s6, $0x2  }
0x21: {  	s6 =	sor.u32 s31, s6  }
0x22: {  	[tilespmem:s6+$0xA000] =	vst v1  }
0x23: {  	[spmem:s5] =	stream.linear.scatter [tilespmem:s23], [sflag:$0x3], $0x1000, $0x38;
	[tilespmem:$0x11000] =	vst v63  }
0x24: {  	_ =	swait.ge [sflag:s24], $0x1000  }
0x25: {  	[sflag:s24] =	ssyncset.done $0x0  }
0x26: {  	[sflag:s24] =	ssyncadd.s32 $0xFFFFF000  }
0x27: {  	[spmem:s10] =	stream.linear.scatter [tilespmem:s23], [sflag:$0x3], $0x1000, $0x38;
	[tilespmem:$0x11000] =	vst v63  }
0x28: {  	_ =	swait.ge [sflag:s24], $0x1000  }
0x29: {  	[sflag:s24] =	ssyncset.done $0x0  }
0x2a: {  	[sflag:s24] =	ssyncadd.s32 $0xFFFFF000  }
0x2b: {  	[spmem:s11] =	stream.linear.scatter [tilespmem:s23], [sflag:$0x3], $0x1000, $0x38;
	[tilespmem:$0x11000] =	vst v63  }
0x2c: {  	_ =	swait.ge [sflag:s24], $0x1000  }
0x2d: {  	[sflag:s24] =	ssyncset.done $0x0  }
0x2e: {  	[sflag:s24] =	ssyncadd.s32 $0xFFFFF000  }
0x2f: {  	[spmem:s12] =	stream.linear.scatter [tilespmem:s23], [sflag:$0x3], $0x1000, $0x38;
	[tilespmem:$0x11000] =	vst v63  }
0x30: {  	_ =	swait.ge [sflag:s24], $0x1000  }
0x31: {  	[sflag:s24] =	ssyncset.done $0x0  }
0x32: {  	[sflag:s24] =	ssyncadd.s32 $0xFFFFF000  }
0x33: {  	[spmem:s13] =	stream.linear.scatter [tilespmem:s23], [sflag:$0x3], $0x1000, $0x38;
	[tilespmem:$0x11000] =	vst v63  }
0x34: {  	_ =	swait.ge [sflag:s24], $0x1000  }
0x35: {  	[sflag:s24] =	ssyncset.done $0x0  }
0x36: {  	s0 =	simm.s32 $0x0;
	s1 =	rddreg [dreg:$0x4];
	[sflag:s24] =	ssyncadd.s32 $0xFFFFF000  }
0x37: {  	[tilespmem:s0], [sflag:$0x3] =	stream.linear.gather [hbm4b:s1+s0], $0x5000, $0x38;
	[tilespmem:$0x11000] =	vst v63  }
0x38: {  	_ =	swait.ge [sflag:s24], $0x5000  }
0x39: {  	s31 =	simm.s32 $0x5000;
	[sflag:s24] =	ssyncset.done $0x0  }
.Ltmp1:
0x3a: {  	s7 =	rddreg [dreg:$0x5];
	[sflag:s24] =	ssyncadd.s32 $0xFFFFB000;
	(pc) =	sbr.rel @p0 .LBB2_7-.Ltmp1, $4  }
0x3b: {  	[tilespmem:s31], [sflag:$0x3] =	stream.linear.gather [hbm4b:s7+s0], $0x5000, $0x38;
	[tilespmem:$0x11000] =	vst v63  }
0x3c: {  	_ =	swait.ge [sflag:s24], $0x5000  }
0x3d: {  	[sflag:s24] =	ssyncset.done $0x0  }
0x3e: {  	[sflag:s24] =	ssyncadd.s32 $0xFFFFB000  }
0x3f: {  	s1 =	sand.u32 $0x1FE00, s0  }
0x40: {  	s6 =	sand.u32 $0x70, s0;
	s1 =	sshrl.u32 s1, $0x2  }
0x41: {  	s31 =	sor.u32 s6, s1  }
0x42: {  	v2 =	vld [tilespmem:s31+$0x0];
	_ =	sdelay $0x2  }
0x43: {  	s7 =	sadd.s32 $0x40, s0  }
0x44: {  	s0 =	sadd.s32 $0x10, s0;
	s6 =	sand.u32 $0x1FE00, s7;
	s1 =	sadd.s32 $0x40, s7  }
.LBB2_5:
0x45: {  	p1 =	sne.s32 s1, $0x13FC0;
	s7 =	sand.u32 $0x70, s0;
	s6 =	sshrl.u32 s6, $0x2;
	v2 =	vadd.s32 v0, v2  }
0x46: {  	[tilespmem:s31+$0x0] =	vst v2;
	s31 =	sor.u32 s7, s6  }
.Ltmp2:
0x47: {  	v2 =	vld [tilespmem:s31+$0x0];
	(pc) =	sbr.rel @p1 .LBB2_5-.Ltmp2, $2  }
0x48: {  	_ =	sdelay $0x2  }
0x49: {  	s0 =	sadd.s32 $0x10, s0;
	s6 =	sand.u32 $0x1FE00, s1;
	s1 =	sadd.s32 $0x40, s1  }
0x4a: {  	s0 =	sand.u32 $0x70, s0;
	s1 =	sshrl.u32 s6, $0x2;
	v2 =	vadd.s32 v0, v2  }
0x4b: {  	s0 =	sor.u32 s0, s1;
	[tilespmem:s31+$0x0] =	vst v2  }
0x4c: {  	v2 =	vld [tilespmem:s0+$0x0];
	_ =	sdelay $0x4  }
0x4d: {  	v2 =	vadd.s32 v0, v2  }
0x4e: {  	[tilespmem:s0+$0x0] =	vst v2  }
.LBB2_7:
0x4f: {  	[bflag:$0x0] =	sbarrier.arrive $0xFFFF;
	s0 =	simm.s32 $0x0  }
0x50: {  	[tilespmem:s23], [sflag:$0x1] =	stream.indirect.gather [hbm4b:s4+s26], $0x20, s0, s26, $0xb8;
	[tilespmem:$0x11000] =	vst v63  }
0x51: {  	s7 =	simm.s32 $0x80  }
0x52: {  	[tilespmem:s28], [sflag:$0x2] =	stream.indirect.gather [hbm4b:s4+s26], $0x20, s7, s26, $0xb8;
	[tilespmem:$0x11000] =	vst v63  }
0x53: {  	_ =	swait.ge [sflag:s29], $0x1000  }
0x54: {  	[sflag:s29] =	ssyncset.done $0x0  }
0x55: {  	s1 =	simm.s32 $0x5000;
	[sflag:s29] =	ssyncadd.s32 $0xFFFFF000  }
0x56: {  	[spmem:s2] =	stream.indirect.scatter.add.f32 [tilespmem:s23], [sflag:$0x3], $0x20, s1, s26, $0xb8;
	[tilespmem:$0x11000] =	vst v63  }
0x57: {  	_ =	swait.ge [sflag:s24], $0x1000  }
0x58: {  	[sflag:s24] =	ssyncset.done $0x0  }
0x59: {  	s6 =	simm.s32 $0x100;
	[sflag:s24] =	ssyncadd.s32 $0xFFFFF000  }
0x5a: {  	[tilespmem:s23], [sflag:$0x1] =	stream.indirect.gather [hbm4b:s4+s26], $0x20, s6, s26, $0xb8;
	[tilespmem:$0x11000] =	vst v63  }
0x5b: {  	_ =	swait.ge [sflag:s30], $0x1000  }
0x5c: {  	[sflag:s30] =	ssyncset.done $0x0  }
0x5d: {  	s7 =	simm.s32 $0x5080;
	[sflag:s30] =	ssyncadd.s32 $0xFFFFF000  }
0x5e: {  	[spmem:s2] =	stream.indirect.scatter.add.f32 [tilespmem:s28], [sflag:$0x3], $0x20, s7, s26, $0xb8;
	[tilespmem:$0x11000] =	vst v63  }
0x5f: {  	_ =	swait.ge [sflag:s24], $0x1000  }
0x60: {  	s31 =	simm.s32 $0x100;
	s0 =	simm.s32 $0x800;
	[sflag:s24] =	ssyncset.done $0x0  }
.LBB2_8:
0x61: {  	s1 =	sadd.s32 $0x80, s31  }
0x62: {  	[sflag:s24] =	ssyncadd.s32 $0xFFFFF000;
	s6 =	smov.u32 s0;
	s7 =	sadd.s32 $0x400, s0  }
0x63: {  	[tilespmem:s28], [sflag:$0x2] =	stream.indirect.gather [hbm4b:s4+s26], $0x20, s1, s26, $0xb8;
	[tilespmem:$0x11000] =	vst v63  }
0x64: {  	p1 =	sne.s32 s0, $0x13800;
	_ =	swait.ge [sflag:s29], $0x1000  }
0x65: {  	[sflag:s29] =	ssyncset.done $0x0  }
0x66: {  	s0 =	sadd.s32 $0x5000, s31;
	[sflag:s29] =	ssyncadd.s32 $0xFFFFF000  }
0x67: {  	[spmem:s2] =	stream.indirect.scatter.add.f32 [tilespmem:s23], [sflag:$0x3], $0x20, s0, s26, $0xb8;
	[tilespmem:$0x11000] =	vst v63  }
0x68: {  	_ =	swait.ge [sflag:s24], $0x1000  }
0x69: {  	[sflag:s24] =	ssyncset.done $0x0  }
0x6a: {  	s0 =	sadd.s32 $0x100, s31;
	[sflag:s24] =	ssyncadd.s32 $0xFFFFF000  }
0x6b: {  	[tilespmem:s23], [sflag:$0x1] =	stream.indirect.gather [hbm4b:s4+s26], $0x20, s0, s26, $0xb8;
	[tilespmem:$0x11000] =	vst v63  }
0x6c: {  	_ =	swait.ge [sflag:s30], $0x1000  }
.Ltmp3:
0x6d: {  	[sflag:s30] =	ssyncset.done $0x0;
	(pc) =	sbr.rel @p1 .LBB2_8-.Ltmp3, $4  }
0x6e: {  	s0 =	sadd.s32 $0x5080, s31;
	[sflag:s30] =	ssyncadd.s32 $0xFFFFF000  }
0x6f: {  	[spmem:s2] =	stream.indirect.scatter.add.f32 [tilespmem:s28], [sflag:$0x3], $0x20, s0, s26, $0xb8;
	[tilespmem:$0x11000] =	vst v63  }
0x70: {  	_ =	swait.ge [sflag:s24], $0x1000  }
0x71: {  	s31 =	sshra.s32 s6, $0x2;
	s0 =	smov.u32 s7;
	[sflag:s24] =	ssyncset.done $0x0  }
0x72: {  	s0 =	sadd.s32 $0x80, s31;
	[sflag:s24] =	ssyncadd.s32 $0xFFFFF000  }
0x73: {  	[tilespmem:s28], [sflag:$0x2] =	stream.indirect.gather [hbm4b:s4+s26], $0x20, s0, s26, $0xb8;
	[tilespmem:$0x11000] =	vst v63  }
0x74: {  	_ =	swait.ge [sflag:s29], $0x1000  }
0x75: {  	[sflag:s29] =	ssyncset.done $0x0  }
0x76: {  	s6 =	sadd.s32 $0x5000, s31;
	[sflag:s29] =	ssyncadd.s32 $0xFFFFF000  }
0x77: {  	[spmem:s2] =	stream.indirect.scatter.add.f32 [tilespmem:s23], [sflag:$0x3], $0x20, s6, s26, $0xb8;
	[tilespmem:$0x11000] =	vst v63  }
0x78: {  	_ =	swait.ge [sflag:s24], $0x1000  }
0x79: {  	[sflag:s24] =	ssyncset.done $0x0  }
0x7a: {  	s7 =	sadd.s32 $0x100, s31;
	[sflag:s24] =	ssyncadd.s32 $0xFFFFF000  }
0x7b: {  	[tilespmem:s23], [sflag:$0x1] =	stream.indirect.gather [hbm4b:s4+s26], $0x20, s7, s26, $0xb8;
	[tilespmem:$0x11000] =	vst v63  }
0x7c: {  	_ =	swait.ge [sflag:s30], $0x1000  }
0x7d: {  	[sflag:s30] =	ssyncset.done $0x0  }
0x7e: {  	s1 =	sadd.s32 $0x5080, s31;
	[sflag:s30] =	ssyncadd.s32 $0xFFFFF000  }
0x7f: {  	[spmem:s2] =	stream.indirect.scatter.add.f32 [tilespmem:s28], [sflag:$0x3], $0x20, s1, s26, $0xb8;
	[tilespmem:$0x11000] =	vst v63  }
0x80: {  	_ =	swait.ge [sflag:s24], $0x1000  }
0x81: {  	[sflag:s24] =	ssyncset.done $0x0  }
0x82: {  	s6 =	simm.s32 $0x4F80;
	[sflag:s24] =	ssyncadd.s32 $0xFFFFF000  }
0x83: {  	[tilespmem:s28], [sflag:$0x2] =	stream.indirect.gather [hbm4b:s4+s26], $0x20, s6, s26, $0xb8;
	[tilespmem:$0x11000] =	vst v63  }
0x84: {  	_ =	swait.ge [sflag:s29], $0x1000  }
0x85: {  	[sflag:s29] =	ssyncset.done $0x0  }
0x86: {  	s7 =	simm.s32 $0x9F00;
	[sflag:s29] =	ssyncadd.s32 $0xFFFFF000  }
0x87: {  	[spmem:s2] =	stream.indirect.scatter.add.f32 [tilespmem:s23], [sflag:$0x3], $0x20, s7, s26, $0xb8;
	[tilespmem:$0x11000] =	vst v63  }
0x88: {  	_ =	swait.ge [sflag:s24], $0x1000  }
0x89: {  	[sflag:s24] =	ssyncset.done $0x0  }
0x8a: {  	[sflag:s24] =	ssyncadd.s32 $0xFFFFF000  }
0x8b: {  	_ =	swait.ge [sflag:s30], $0x1000  }
0x8c: {  	[sflag:s30] =	ssyncset.done $0x0  }
0x8d: {  	s31 =	simm.s32 $0x9F80;
	[sflag:s30] =	ssyncadd.s32 $0xFFFFF000  }
0x8e: {  	[spmem:s2] =	stream.indirect.scatter.add.f32 [tilespmem:s28], [sflag:$0x3], $0x20, s31, s26, $0xb8;
	[tilespmem:$0x11000] =	vst v63  }
0x8f: {  	_ =	swait.ge [sflag:s24], $0x1000  }
0x90: {  	[sflag:s24] =	ssyncset.done $0x0  }
0x91: {  	[sflag:s24] =	ssyncadd.s32 $0xFFFFF000  }
0x92: {  	[bflag:$0x0] =	sbarrier.arrive $0xFFFF  }
0x93: {  	[tilespmem:s23], [sflag:$0x3] =	stream.linear.gather [spmem:s8], $0x1000, $0x38;
	[tilespmem:$0x11000] =	vst v63  }
0x94: {  	_ =	swait.ge [sflag:s24], $0x1000  }
0x95: {  	[sflag:s24] =	ssyncset.done $0x0  }
0x96: {  	[sflag:s24] =	ssyncadd.s32 $0xFFFFF000  }
0x97: {  	[hbm4b:s14+s3] =	stream.linear.scatter [tilespmem:s23], [sflag:$0x3], $0x1000, $0x38;
	[tilespmem:$0x11000] =	vst v63  }
0x98: {  	_ =	swait.ge [sflag:s24], $0x1000  }
0x99: {  	[sflag:s24] =	ssyncset.done $0x0  }
0x9a: {  	[sflag:s24] =	ssyncadd.s32 $0xFFFFF000  }
0x9b: {  	[tilespmem:s23], [sflag:$0x3] =	stream.linear.gather [spmem:s15], $0x1000, $0x38;
	[tilespmem:$0x11000] =	vst v63  }
0x9c: {  	_ =	swait.ge [sflag:s24], $0x1000  }
0x9d: {  	[sflag:s24] =	ssyncset.done $0x0  }
0x9e: {  	[sflag:s24] =	ssyncadd.s32 $0xFFFFF000  }
0x9f: {  	[hbm4b:s16+s3] =	stream.linear.scatter [tilespmem:s23], [sflag:$0x3], $0x1000, $0x38;
	[tilespmem:$0x11000] =	vst v63  }
0xa0: {  	_ =	swait.ge [sflag:s24], $0x1000  }
0xa1: {  	[sflag:s24] =	ssyncset.done $0x0  }
0xa2: {  	[sflag:s24] =	ssyncadd.s32 $0xFFFFF000  }
0xa3: {  	[tilespmem:s23], [sflag:$0x3] =	stream.linear.gather [spmem:s17], $0x1000, $0x38;
	[tilespmem:$0x11000] =	vst v63  }
0xa4: {  	_ =	swait.ge [sflag:s24], $0x1000  }
0xa5: {  	[sflag:s24] =	ssyncset.done $0x0  }
0xa6: {  	[sflag:s24] =	ssyncadd.s32 $0xFFFFF000  }
0xa7: {  	[hbm4b:s18+s3] =	stream.linear.scatter [tilespmem:s23], [sflag:$0x3], $0x1000, $0x38;
	[tilespmem:$0x11000] =	vst v63  }
0xa8: {  	_ =	swait.ge [sflag:s24], $0x1000  }
0xa9: {  	[sflag:s24] =	ssyncset.done $0x0  }
0xaa: {  	[sflag:s24] =	ssyncadd.s32 $0xFFFFF000  }
0xab: {  	[tilespmem:s23], [sflag:$0x3] =	stream.linear.gather [spmem:s19], $0x1000, $0x38;
	[tilespmem:$0x11000] =	vst v63  }
0xac: {  	_ =	swait.ge [sflag:s24], $0x1000  }
0xad: {  	[sflag:s24] =	ssyncset.done $0x0  }
0xae: {  	[sflag:s24] =	ssyncadd.s32 $0xFFFFF000  }
0xaf: {  	[hbm4b:s20+s3] =	stream.linear.scatter [tilespmem:s23], [sflag:$0x3], $0x1000, $0x38;
	[tilespmem:$0x11000] =	vst v63  }
0xb0: {  	_ =	swait.ge [sflag:s24], $0x1000  }
0xb1: {  	[sflag:s24] =	ssyncset.done $0x0  }
0xb2: {  	[sflag:s24] =	ssyncadd.s32 $0xFFFFF000  }
0xb3: {  	[tilespmem:s23], [sflag:$0x3] =	stream.linear.gather [spmem:s21], $0x1000, $0x38;
	[tilespmem:$0x11000] =	vst v63  }
0xb4: {  	s25 =	sadd.s32 $0x1, s25;
	_ =	swait.ge [sflag:s24], $0x1000  }
0xb5: {  	p1 =	sne.s32 s25, s9;
	[sflag:s24] =	ssyncset.done $0x0  }
.Ltmp4:
0xb6: {  	[sflag:s24] =	ssyncadd.s32 $0xFFFFF000;
	(pc) =	sbr.rel @p1 .LBB2_1-.Ltmp4, $4  }
0xb7: {  	[hbm4b:s22+s3] =	stream.linear.scatter [tilespmem:s23], [sflag:$0x3], $0x1000, $0x38;
	[tilespmem:$0x11000] =	vst v63  }
0xb8: {  	_ =	swait.ge [sflag:s24], $0x1000  }
0xb9: {  	[sflag:s24] =	ssyncset.done $0x0  }
0xba: {  	[sflag:s24] =	ssyncadd.s32 $0xFFFFF000  }
0xbb: {  	_ =	sfence.sel $0x180000  }
0xbc: {  	[bflag:$0x0] =	sbarrier.arrive $0xFFFF  }
0xbd: {  	_ =	strace $0x9000004D  }
0xbe: {  	s0 =	stileid.u32;
	[bflag:$0x2] =	sbarrier.arrive $0xFFFF  }
0xbf: {  	p0 =	sne.s32 s0, $0x0;
	s0 =	rddreg [dreg:$0x3]  }
0xc0: {  	s0 =	sadd.s32 @!p0 $0x100000, s0  }
0xc1: {  	[sflag:s0] =	ssyncadd.tile.s32 @!p0 $0x1;
	_ =	shalt  }
.Lfunc_end2:
_tile_overlayer_lowered:
.L_overlay_start_2:
0xc2: {  	(tag) =	ssettag $0x2  }
0xc3: {  	s0 =	rddreg [dreg:$0x0];
	s2 =	stileid.u32  }
0xc4: {  	s1 =	rddreg [dreg:$0x1];
	p0 =	sne.s32 s2, $0x0  }
0xc5: {  	s3 =	rddreg [dreg:$0x2];
	[bflag:$0x3] =	sbarrier.arrive $0xFFFF;
	s2 =	simm.s32 @!p0 $0x1C03  }
0xc6: {  	[timem:s3], [sflag:s2] =	dma.local @!p0 [hbm:s0], s1  }
0xc7: {  	s0 =	simm.s32 @!p0 $0x3  }
0xc8: {  	_ =	swait.ge @!p0 [sflag:s0], s1  }
0xc9: {  	s1 =	ssub.s32 @!p0 $0x0, s1;
	[sflag:s0] =	ssyncset.done @!p0 $0x0  }
0xca: {  	[sflag:s0] =	ssyncadd.s32 @!p0 s1  }
0xcb: {  	[bflag:$0x3] =	sbarrier.arrive $0xFFFF  }
0xcc: {  	_ =	shalt  }

// kernel: kernel.8.cloned.1.call-start
scs
__scs_entry_jumppad:
0x0: {  	(pc) =	sbr.rel $0x88, $3  }
0x1: {  	(tag) =	ssettag $0x0;
	lr =	simm.s32 $0x1  }
0x2: {  	[smem:$0x3F9A] =	sst lr;
	_ =	strace $0xD0000000  }
0x3: {  	_ = 	snop  }
0x4: {  	_ = 	snop  }
0x5: {  	_ = 	snop  }
0x6: {  	_ = 	snop  }
0x7: {  	_ = 	snop  }
__scs_overlays_trampoline_lowered:
0x8: {  	[smem:$0x3FA9] =	sst s0  }
0x9: {  	[smem:$0x3FAA] =	sst s1  }
0xa: {  	[smem:$0x3FAB] =	sst s2  }
0xb: {  	[smem:$0x3FAC] =	sst s3  }
0xc: {  	[smem:$0x3FAD] =	sst s4  }
0xd: {  	[smem:$0x3FAE] =	sst s5  }
0xe: {  	[smem:$0x3FAF] =	sst s6  }
0xf: {  	[smem:$0x3FB0] =	sst s7  }
0x10: {  	[smem:$0x3FB1] =	sst s8  }
0x11: {  	[smem:$0x3FB2] =	sst s9;
	s0 =	simm.s32 @!p0 $0x0  }
0x12: {  	s1 =	sld [smem:$0x3F98];
	s0 =	simm.s32 @p0 $0x1  }
0x13: {  	[smem:$0x3FB3] =	sst s0;
	s0 =	simm.s32 @!p1 $0x0  }
0x14: {  	s2 =	sld [smem:$0x3F97];
	s0 =	simm.s32 @p1 $0x1  }
0x15: {  	[smem:$0x3FB4] =	sst s0;
	s0 =	simm.s32 @!p2 $0x0  }
0x16: {  	s3 =	sld [smem:$0x3FDB];
	s0 =	simm.s32 @p2 $0x1  }
0x17: {  	s4 =	simm.s32 $0x1BF5;
	[smem:$0x3FB6] =	sst s0  }
0x18: {  	s0 =	sld [smem:$0x3F99];
	_ =	swait.ge [sflag:s4], $0x0  }
0x19: {  	s7 =	sld [smem:$0x3F9A]  }
0x1a: {  	s8 =	sadd.s32 $0xFFFFE003, lr  }
0x1b: {  	s9 =	sadd.s32 $0xFFFFFEF7, lr;
	s5 =	simm.s32 $0xFFFFFFFF;
	p2 =	slt.u32 s8, $0xFFFFF086  }
0x1c: {  	p1 =	slt.u32 s9, $0xF7A;
	s5 =	simm.s32 @!p2 $0x0  }
0x1d: {  	s5 =	simm.s32 @p1 $0x1;
	p0 =	seq.s32 s7, s2  }
0x1e: {  	s7 =	smul.u32 @!p0 $0xF7A, s2;
	p2 =	seq.s32 @!p0 s5, $0x0  }
0x1f: {  	s9 =	smul.u32 $0xF7A, s1;
	s8 =	simm.s32 @!p0 $0x1BF5;
	p2 =	por !p2, p0  }
0x20: {  	[sflag:s8] =	ssyncset.s32 @!p0 $0xFFFFF086;
	s6 =	sadd.s32 @!p0 s3, s7;
	s7 =	simm.s32 @!p0 $0x108  }
0x21: {  	s3 =	sadd.s32 s3, s9;
	s6 =	sadd.s32 @!p0 $0x88, s6;
	s7 =	simm.s32 @p2 $0x1082  }
0x22: {  	[simem:s7], [sflag:s8] =	dma.local @!p0 [hbm:s6], $0xF7A  }
0x23: {  	s9 =	sor.u32 $0xD0000000, s2;
	s6 =	simm.s32 $0x108;
	_ =	swait.ge @!p0 [sflag:s8], $0x0  }
0x24: {  	s3 =	sadd.s32 $0x88, s3;
	s6 =	simm.s32 @!p1 $0x1082;
	[sflag:s4] =	ssyncset.s32 $0xFFFFF086  }
0x25: {  	[simem:s6], [sflag:s4] =	dma.local [hbm:s3], $0xF7A  }
0x26: {  	[smem:$0x3F9A] =	sst s1;
	(tag) =	ssettag s2;
	_ =	strace s9  }
0x27: {  	s1 =	sld [smem:$0x3FAA]  }
0x28: {  	s2 =	sld [smem:$0x3FAB]  }
0x29: {  	s4 =	sld [smem:$0x3FAD]  }
0x2a: {  	p0 =	seq.s32 s5, $0x0;
	s5 =	sld [smem:$0x3FAE]  }
0x2b: {  	s6 =	sld [smem:$0x3FAF]  }
0x2c: {  	s7 =	sld [smem:$0x3FB0]  }
0x2d: {  	s3 =	simm.s32 $0x108;
	s8 =	sld [smem:$0x3FB1]  }
0x2e: {  	s3 =	simm.s32 @!p0 $0x1082;
	s9 =	sld [smem:$0x3FB2]  }
0x2f: {  	lr =	sadd.s32 s0, s3;
	s0 =	sld [smem:$0x3FA9]  }
0x30: {  	s3 =	sld [smem:$0x3FAC]  }
0x31: {  	[smem:$0x3FB5] =	sst s10  }
0x32: {  	s10 =	sld [smem:$0x3FB3];
	_ =	sdelay $0x3  }
0x33: {  	p0 =	seq.s32 s10, $0x1;
	s10 =	sld [smem:$0x3FB5];
	_ =	sdelay $0x3  }
0x34: {  	[smem:$0x3FB5] =	sst s10  }
0x35: {  	s10 =	sld [smem:$0x3FB4];
	_ =	sdelay $0x3  }
0x36: {  	p1 =	seq.s32 s10, $0x1;
	s10 =	sld [smem:$0x3FB5];
	_ =	sdelay $0x3  }
0x37: {  	[smem:$0x3FB5] =	sst s10  }
0x38: {  	s10 =	sld [smem:$0x3FB6]  }
0x39: {  	_ = 	snop;
	(pc) =	sbr.ind lr, $3  }
0x3a: {  	_ = 	snop  }
0x3b: {  	_ = 	snop  }
0x3c: {  	p2 =	seq.s32 s10, $0x1;
	s10 =	sld [smem:$0x3FB5]  }
0x3d: {  	_ =	shalt  }
0x3e: {  	_ =	shalt  }
0x3f: {  	_ =	shalt  }
0x40: {  	_ =	shalt  }
0x41: {  	_ =	shalt  }
0x42: {  	_ =	shalt  }
0x43: {  	_ =	shalt  }
0x44: {  	_ =	shalt  }
0x45: {  	_ =	shalt  }
0x46: {  	_ =	shalt  }
0x47: {  	_ =	shalt  }
0x48: {  	_ =	shalt  }
0x49: {  	_ =	shalt  }
0x4a: {  	_ =	shalt  }
0x4b: {  	_ =	shalt  }
0x4c: {  	_ =	shalt  }
0x4d: {  	_ =	shalt  }
0x4e: {  	_ =	shalt  }
0x4f: {  	_ =	shalt  }
0x50: {  	_ =	shalt  }
0x51: {  	_ =	shalt  }
0x52: {  	_ =	shalt  }
0x53: {  	_ =	shalt  }
0x54: {  	_ =	shalt  }
0x55: {  	_ =	shalt  }
0x56: {  	_ =	shalt  }
0x57: {  	_ =	shalt  }
0x58: {  	_ =	shalt  }
0x59: {  	_ =	shalt  }
0x5a: {  	_ =	shalt  }
0x5b: {  	_ =	shalt  }
0x5c: {  	_ =	shalt  }
0x5d: {  	_ =	shalt  }
0x5e: {  	_ =	shalt  }
0x5f: {  	_ =	shalt  }
0x60: {  	_ =	shalt  }
0x61: {  	_ =	shalt  }
0x62: {  	_ =	shalt  }
0x63: {  	_ =	shalt  }
0x64: {  	_ =	shalt  }
0x65: {  	_ =	shalt  }
0x66: {  	_ =	shalt  }
0x67: {  	_ =	shalt  }
0x68: {  	_ =	shalt  }
0x69: {  	_ =	shalt  }
0x6a: {  	_ =	shalt  }
0x6b: {  	_ =	shalt  }
0x6c: {  	_ =	shalt  }
0x6d: {  	_ =	shalt  }
0x6e: {  	_ =	shalt  }
0x6f: {  	_ =	shalt  }
0x70: {  	_ =	shalt  }
0x71: {  	_ =	shalt  }
0x72: {  	_ =	shalt  }
0x73: {  	_ =	shalt  }
0x74: {  	_ =	shalt  }
0x75: {  	_ =	shalt  }
0x76: {  	_ =	shalt  }
0x77: {  	_ =	shalt  }
0x78: {  	_ =	shalt  }
0x79: {  	_ =	shalt  }
0x7a: {  	_ =	shalt  }
0x7b: {  	_ =	shalt  }
0x7c: {  	_ =	shalt  }
0x7d: {  	_ =	shalt  }
0x7e: {  	_ =	shalt  }
0x7f: {  	_ =	shalt  }
0x80: {  	_ =	shalt  }
0x81: {  	_ =	shalt  }
0x82: {  	_ =	shalt  }
0x83: {  	_ =	shalt  }
0x84: {  	_ =	shalt  }
0x85: {  	_ =	shalt  }
0x86: {  	_ =	shalt  }
0x87: {  	_ =	shalt  }
.Lfunc_end0:
.L_simem_size_0:
called_computation_lowered:
.L_overlay_start_0:
0x88: {  	s2 =	sld [smem:$0x3FD9]  }
0x89: {  	s3 =	sld [smem:$0x3FFE];
	_ =	sdelay $0x1  }
0x8a: {  	s1 =	srdreg.scid  }
0x8b: {  	s0 =	sand.u32 $0x1, s1  }
0x8c: {  	s16 =	sshll.u32 s0, $0xA;
	s2 =	sadd.s32 s3, s2  }
0x8d: {  	s2 =	sadd.s32 s2, s16  }
0x8e: {  	[smem:$0x3FC1] =	sst s2  }
0x8f: {  	_ = 	snop  }
0x90: {  	(tm) =	ssettm $0x1  }
0x91: {  	s17 =	sld [smem:$0x3FFB];
	_ =	sdelay $0x3  }
0x92: {  	_ =	strace s17  }
0x93: {  	s2 =	sld [smem:$0x3FFC];
	_ =	sdelay $0x3  }
0x94: {  	_ =	strace s2  }
0x95: {  	s2 =	sld [smem:$0x3FFD];
	_ =	sdelay $0x3  }
0x96: {  	_ =	strace s2  }
0x97: {  	_ =	strace $0x8FFFFFFF  }
0x98: {  	s18 =	sld [smem:$0x3FDB];
	_ =	sdelay $0x1  }
0x99: {  	s19 =	simm.s32 $_scs_section_size  }
0x9a: {  	s4 =	simm.s32 $_size__tile_overlayer_lowered;
	s5 =	simm.s32 $_tile_overlayer_lowered  }
0x9b: {  	s22 =	simm.s32 $0x1BFF;
	s21 =	sshll.u32 s5, $0x1;
	s2 =	sadd.s32 s19, s18  }
0x9c: {  	s6 =	simm.s32 $0x0;
	s20 =	sshll.u32 s4, $0x1;
	s4 =	sadd.s32 s21, s2  }
0x9d: {  	[timem:s6], [sflag:s22] =	dma.local [hbm:s4], s20  }
0x9e: {  	_ =	swait.ge [sflag:s22], s20  }
0x9f: {  	s3 =	ssub.s32 $0x0, s20;
	[sflag:s22] =	ssyncset.done $0x0  }
0xa0: {  	[sflag:s22] =	ssyncadd.s32 s3;
	_ =	sdelay $0x1  }
0xa1: {  	s23 =	simm.s32 $0x1B8B  }
0xa2: {  	_ =	swait.ge [sflag:s23], $0x1  }
0xa3: {  	[sflag:s23] =	ssyncset.done $0x0  }
0xa4: {  	s25 =	simm.s32 $0x1B8E;
	s24 =	sld [smem:$0x3FFE];
	[sflag:s23] =	ssyncadd.s32 $0xFFFFFFFF  }
0xa5: {  	s26 =	simm.s32 $execute0_lowered;
	[smem:$0x3FD2] =	sst s25  }
0xa6: {  	s4 =	sshll.u32 s26, $0x1;
	_ =	strace $0x80000046;
	[dreg:$0x1] =	wrdreg $0xFFFFFFFF  }
0xa7: {  	s28 =	simm.s32 $_size_execute0_lowered;
	s2 =	sadd.s32 s2, s4;
	[dreg:$0x0] =	wrdreg $0x0  }
0xa8: {  	s4 =	sshll.u32 s28, $0x1;
	[dreg:$0x2] =	wrdreg s2  }
0xa9: {  	[dreg:$0x3] =	wrdreg s4  }
0xaa: {  	[dreg:$0x4] =	wrdreg $0xC0  }
0xab: {  	_ =	task [dreg:s6], $0x5FFFF  }
0xac: {  	[dreg:$0x1] =	wrdreg $0xFFFFFFFF  }
0xad: {  	[dreg:$0x0] =	wrdreg $0x60  }
0xae: {  	[dreg:$0x2] =	wrdreg s24  }
0xaf: {  	[dreg:$0x3] =	wrdreg $0x74000  }
0xb0: {  	[dreg:$0x4] =	wrdreg $0x9  }
0xb1: {  	_ =	task.clear_ibuf [dreg:s6], $0x5FFFF;
	_ =	strace $0x90000046  }
0xb2: {  	s29 =	simm.s32 $0x9;
	_ =	strace $0x80000048  }
0xb3: {  	_ =	swait.ge [sflag:s29], $0x1  }
0xb4: {  	[sflag:s29] =	ssyncadd.s32 $0xFFFFFFFF  }
0xb5: {  	_ =	strace $0x90000048  }
0xb6: {  	_ =	sfence  }
0xb7: {  	s30 =	sld [smem:$0x0];
	_ =	sdelay $0x2  }
0xb8: {  	s31 =	sshll.u32 s1, $0xD;
	s1 =	sshrl.u32 s1, $0x2  }
0xb9: {  	s3 =	sand.u32 $0x4000, s31;
	s1 =	sadd.s32 s1, s30  }
0xba: {  	s0 =	sor.u32 s3, s0;
	s1 =	sshll.u32 s1, $0x11  }
0xbb: {  	s0 =	sor.u32 s1, s0  }
0xbc: {  	s0 =	sadd.s32 $0x8F2B, s0  }
0xbd: {  	[sflag:s0] =	ssyncadd.remote.s32 $0x1  }
0xbe: {  	_ =	sfence.sel $0xFFFF  }
0xbf: {  	[dreg:$0x0] =	wrdreg $0xFFFFFFFF;
	(pc) =	sbr.abs _section_cstart, $3  }
0xc0: {  	[dreg:$0x1] =	wrdreg $0xFFFFFFFF  }
0xc1: {  	_ =	task.clear_ibuf [dreg:s6], $0x2FFFF;
	_ =	strace $0x9FFFFFFF  }
0xc2: {  	(tm) =	ssettm $0x7FFFFFFF  }
0xc3: {  	_ =	shalt  }
tec
execute0_lowered:
.L_overlay_start_1:
0x0: {  	(tag) =	ssettag $0x1  }
0x1: {  	s0 =	srdreg.scid;
	s5 =	rddreg [dreg:$0x0]  }
0x2: {  	s2 =	rddreg [dreg:$0x1];
	s9 =	sand.u32 $0x1, s0;
	s0 =	stileid.u32  }
0x3: {  	s3 =	simm.s32 $0x0;
	s17 =	simm.s32 $0x80;
	s8 =	smul.u32 $0x2800, s0  }
0x4: {  	s18 =	simm.s32 $0x2800;
	s19 =	simm.s32 $0x3;
	s10 =	smul.u32 $0x28000, s9  }
0x5: {  	s20 =	simm.s32 $0x4;
	s21 =	simm.s32 $0x6C00;
	s16 =	smul.u32 $0xA0000, s9  }
0x6: {  	s22 =	simm.s32 $0x5880;
	s23 =	simm.s32 $0x7000;
	s28 =	smul.u32 $0xA000, s0  }
0x7: {  	s24 =	simm.s32 $0x1;
	s1 =	sshll.u32 s9, $0x4;
	s30 =	smul.u32 $0x14000, s9  }
0x8: {  	[smem:$0x7FF] =	sst s3;
	s31 =	smul.u32 $0x1400, s0;
	s6 =	sor.u32 s0, s1  }
0x9: {  	s12 =	sadd.s32 $0x1F400, s5;
	s13 =	ssub.s32 $0x2, s9;
	s4 =	smul.u32 $0x280, s6  }
0xa: {  	_ =	strace $0x80000047;
	s14 =	sshrl.u32 s13, $0x1;
	s7 =	smul.u32 $0x500, s6  }
0xb: {  	s10 =	sadd.s32 s8, s10;
	s15 =	smul.u32 $0x1400, s6;
	s13 =	ssub.s32 s13, s14  }
0xc: {  	s25 =	smul.u32 $0xA000, s6;
	s14 =	sadd.s32 s30, s12;
	s10 =	sshrl.u32 s10, $0x3  }
0xd: {  	s9 =	smax.u32 s13, $0x1;
	s13 =	sadd.s32 s31, s14;
	s14 =	simm.s32 $0x5  }
0xe: {  	s11 =	sadd.s32 s4, s5;
	s4 =	sadd.s32 $0x11400, s5;
	s7 =	sadd.s32 s7, s5  }
0xf: {  	s10 =	sadd.s32 s10, s5;
	s5 =	sadd.s32 s8, s2;
	s26 =	sadd.s32 s15, s12  }
0x10: {  	s29 =	sshrl.u32 s25, $0x3;
	s15 =	sadd.s32 s28, s16;
	s13 =	sadd.s32 $0x80, s13  }
0x11: {  	s16 =	simm.s32 $0x5800;
	s25 =	simm.s32 $0x2;
	s6 =	sadd.s32 $0x2400, s7  }
0x12: {  	s7 =	sadd.s32 $0xC400, s11;
	s8 =	sadd.s32 $0x15400, s10;
	s10 =	sadd.s32 s12, s29  }
0x13: {  	s11 =	sadd.s32 $0x1380, s26;
	s15 =	sshrl.u32 s15, $0x3;
	s26 =	simm.s32 $0x0  }
0x14: {  	v0 =	vimm.f32 $0.0e+00;
	v1 =	vimm.f32 $1.000000000e+00;
	s10 =	sadd.s32 $0x1300, s10;
	s12 =	sadd.s32 s15, s12;
	s15 =	simm.s32 $0x3000  }
.LBB2_1:
0x15: {  	s28 =	simm.s32 $0x40;
	s29 =	simm.s32 $0x0  }
.LBB2_2:
0x16: {  	p0 =	sne.s32 s28, $0x9FC0;
	[tilespmem:s29+$0x0] =	vst v0;
	s29 =	smov.u32 s28;
	s28 =	sadd.s32 $0x40, s28  }
.Ltmp0:
0x17: {  	(pc) =	sbr.rel @p0 .LBB2_2-.Ltmp0, $2  }
0x18: {  	_ =	sdelay $0x2  }
0x19: {  	s29 =	sshra.s32 s29, $0x2  }
0x1a: {  	[tilespmem:s29+$0x0] =	vst v0;
	s28 =	simm.s32 $0x0  }
0x1b: {  	[spmem:s5] =	stream.linear.scatter [tilespmem:s28], [sflag:$0x5], $0x2800, $0x38;
	[tilespmem:$0x9C00] =	vst v63  }
0x1c: {  	_ =	swait.ge [sflag:s14], $0x2800  }
0x1d: {  	[sflag:s14] =	ssyncset.done $0x0  }
0x1e: {  	s29 =	simm.s32 $0x0;
	s28 =	simm.s32 $0x40;
	[sflag:s14] =	ssyncadd.s32 $0xFFFFD800  }
.LBB2_4:
0x1f: {  	p0 =	sne.s32 s28, $0x1FC0;
	[tilespmem:s29+$0x2800] =	vst v1;
	s29 =	smov.u32 s28;
	s28 =	sadd.s32 $0x40, s28  }
.Ltmp1:
0x20: {  	(pc) =	sbr.rel @p0 .LBB2_4-.Ltmp1, $2  }
0x21: {  	_ =	sdelay $0x2  }
0x22: {  	s29 =	sshra.s32 s29, $0x2  }
0x23: {  	[tilespmem:s29+$0x2800] =	vst v1;
	s28 =	simm.s32 $0x0  }
0x24: {  	[tilespmem:s15], [sflag:$0x5] =	stream.linear.gather [hbm4b:s6+s28], $0x2800, $0x38;
	[tilespmem:$0x9C00] =	vst v63  }
0x25: {  	_ =	swait.ge [sflag:s14], $0x2800  }
0x26: {  	[sflag:s14] =	ssyncset.done $0x0  }
0x27: {  	[sflag:s14] =	ssyncadd.s32 $0xFFFFD800  }
0x28: {  	[tilespmem:s16], [sflag:$0x5] =	stream.linear.gather [hbm4b:s7+s28], $0x1400, $0x38;
	[tilespmem:$0x9C00] =	vst v63  }
0x29: {  	_ =	swait.ge [sflag:s14], $0x1400  }
0x2a: {  	[sflag:s14] =	ssyncset.done $0x0  }
0x2b: {  	[sflag:s14] =	ssyncadd.s32 $0xFFFFEC00  }
0x2c: {  	s28 =	simm.s32 $0x3000;
	[bflag:$0x0] =	sbarrier.arrive $0xFFFF  }
0x2d: {  	[spmem:s2] =	stream.indirect.scatter.add.f32 [tilespmem:s18], [sflag:$0x3], $0x10, s28, s17, $0xb8;
	[tilespmem:$0x9C00] =	vst v63  }
0x2e: {  	s28 =	simm.s32 $0x3080  }
0x2f: {  	[spmem:s2] =	stream.indirect.scatter.add.f32 [tilespmem:s18], [sflag:$0x4], $0x10, s28, s17, $0xb8;
	[tilespmem:$0x9C00] =	vst v63  }
0x30: {  	_ =	swait.ge [sflag:s19], $0x800  }
0x31: {  	[sflag:s19] =	ssyncset.done $0x0  }
0x32: {  	[sflag:s19] =	ssyncadd.s32 $0xFFFFF800  }
0x33: {  	_ =	swait.ge [sflag:s20], $0x800  }
0x34: {  	s29 =	simm.s32 $0x800;
	s28 =	simm.s32 $0x100;
	[sflag:s20] =	ssyncset.done $0x0  }
.LBB2_6:
0x35: {  	s30 =	sadd.s32 $0x3000, s28  }
0x36: {  	[sflag:s20] =	ssyncadd.s32 $0xFFFFF800;
	s31 =	smov.u32 s29;
	s1 =	sadd.s32 $0x400, s29  }
0x37: {  	[spmem:s2] =	stream.indirect.scatter.add.f32 [tilespmem:s18], [sflag:$0x3], $0x10, s30, s17, $0xb8;
	[tilespmem:$0x9C00] =	vst v63  }
0x38: {  	p0 =	sne.s32 s29, $0x9C00;
	s28 =	sadd.s32 $0x3080, s28  }
0x39: {  	[spmem:s2] =	stream.indirect.scatter.add.f32 [tilespmem:s18], [sflag:$0x4], $0x10, s28, s17, $0xb8;
	[tilespmem:$0x9C00] =	vst v63  }
.Ltmp2:
0x3a: {  	_ =	swait.ge [sflag:s19], $0x800;
	(pc) =	sbr.rel @p0 .LBB2_6-.Ltmp2, $4  }
0x3b: {  	[sflag:s19] =	ssyncset.done $0x0  }
0x3c: {  	[sflag:s19] =	ssyncadd.s32 $0xFFFFF800  }
0x3d: {  	_ =	swait.ge [sflag:s20], $0x800  }
0x3e: {  	s29 =	smov.u32 s1;
	s28 =	sshra.s32 s31, $0x2;
	[sflag:s20] =	ssyncset.done $0x0  }
0x3f: {  	s1 =	sadd.s32 $0x3000, s28;
	[sflag:s20] =	ssyncadd.s32 $0xFFFFF800  }
0x40: {  	[spmem:s2] =	stream.indirect.scatter.add.f32 [tilespmem:s18], [sflag:$0x3], $0x10, s1, s17, $0xb8;
	[tilespmem:$0x9C00] =	vst v63  }
0x41: {  	s31 =	sadd.s32 $0x3080, s28  }
0x42: {  	[spmem:s2] =	stream.indirect.scatter.add.f32 [tilespmem:s18], [sflag:$0x4], $0x10, s31, s17, $0xb8;
	[tilespmem:$0x9C00] =	vst v63  }
0x43: {  	_ =	swait.ge [sflag:s19], $0x800  }
0x44: {  	[sflag:s19] =	ssyncset.done $0x0  }
0x45: {  	[sflag:s19] =	ssyncadd.s32 $0xFFFFF800  }
0x46: {  	_ =	swait.ge [sflag:s20], $0x800  }
0x47: {  	[sflag:s20] =	ssyncset.done $0x0  }
0x48: {  	[sflag:s20] =	ssyncadd.s32 $0xFFFFF800  }
0x49: {  	[tilespmem:s21], [sflag:$0x1] =	stream.indirect.gather [hbm4b:s4+s17], $0x8, s16, s17, $0xb8;
	[tilespmem:$0x9C00] =	vst v63  }
0x4a: {  	_ = 	snop  }
0x4b: {  	[tilespmem:s23], [sflag:$0x2] =	stream.indirect.gather [hbm4b:s4+s17], $0x8, s22, s17, $0xb8;
	[tilespmem:$0x9C00] =	vst v63  }
0x4c: {  	_ =	swait.ge [sflag:s24], $0x400  }
0x4d: {  	[sflag:s24] =	ssyncset.done $0x0  }
0x4e: {  	s31 =	sadd.s32 $0x0, s12;
	[sflag:s24] =	ssyncadd.s32 $0xFFFFFC00  }
0x4f: {  	[hbm4b:s31+s3] =	stream.linear.scatter [tilespmem:s21], [sflag:$0x3], $0x400, $0x38;
	[tilespmem:$0x9C00] =	vst v63  }
0x50: {  	_ =	swait.ge [sflag:s25], $0x400  }
0x51: {  	[sflag:s25] =	ssyncset.done $0x0  }
0x52: {  	s31 =	sadd.s32 $0x0, s13;
	[sflag:s25] =	ssyncadd.s32 $0xFFFFFC00  }
0x53: {  	[hbm4b:s31+s3] =	stream.linear.scatter [tilespmem:s23], [sflag:$0x4], $0x400, $0x38;
	[tilespmem:$0x9C00] =	vst v63  }
0x54: {  	_ =	swait.ge [sflag:s19], $0x400  }
0x55: {  	[sflag:s19] =	ssyncset.done $0x0  }
0x56: {  	s31 =	simm.s32 $0x5900;
	[sflag:s19] =	ssyncadd.s32 $0xFFFFFC00  }
0x57: {  	[tilespmem:s21], [sflag:$0x1] =	stream.indirect.gather [hbm4b:s4+s17], $0x8, s31, s17, $0xb8;
	[tilespmem:$0x9C00] =	vst v63  }
0x58: {  	_ =	swait.ge [sflag:s20], $0x400  }
0x59: {  	s28 =	simm.s32 $0x5980;
	[sflag:s20] =	ssyncset.done $0x0  }
0x5a: {  	s29 =	simm.s32 $0x100;
	s30 =	simm.s32 $0x5A80;
	[sflag:s20] =	ssyncadd.s32 $0xFFFFFC00  }
.LBB2_8:
0x5b: {  	[tilespmem:s23], [sflag:$0x2] =	stream.indirect.gather [hbm4b:s4+s17], $0x8, s28, s17, $0xb8;
	[tilespmem:$0x9C00] =	vst v63  }
0x5c: {  	s1 =	smov.u32 s29;
	s28 =	smov.u32 s30  }
0x5d: {  	p0 =	sne.s32 s29, $0x1200;
	s29 =	sadd.s32 $0x100, s29;
	_ =	swait.ge [sflag:s24], $0x400  }
0x5e: {  	[sflag:s24] =	ssyncset.done $0x0  }
0x5f: {  	s31 =	sadd.s32 s1, s12;
	[sflag:s24] =	ssyncadd.s32 $0xFFFFFC00  }
0x60: {  	[hbm4b:s31+s3] =	stream.linear.scatter [tilespmem:s21], [sflag:$0x3], $0x400, $0x38;
	[tilespmem:$0x9C00] =	vst v63  }
0x61: {  	_ =	swait.ge [sflag:s25], $0x400  }
0x62: {  	[sflag:s25] =	ssyncset.done $0x0  }
0x63: {  	s1 =	sadd.s32 s1, s13;
	[sflag:s25] =	ssyncadd.s32 $0xFFFFFC00  }
0x64: {  	[hbm4b:s1+s3] =	stream.linear.scatter [tilespmem:s23], [sflag:$0x4], $0x400, $0x38;
	[tilespmem:$0x9C00] =	vst v63  }
0x65: {  	_ =	swait.ge [sflag:s19], $0x400  }
0x66: {  	[sflag:s19] =	ssyncset.done $0x0  }
.Ltmp3:
0x67: {  	s1 =	sadd.s32 $0xFFFFFF80, s30;
	[sflag:s19] =	ssyncadd.s32 $0xFFFFFC00;
	(pc) =	sbr.rel @p0 .LBB2_8-.Ltmp3, $4  }
0x68: {  	[tilespmem:s21], [sflag:$0x1] =	stream.indirect.gather [hbm4b:s4+s17], $0x8, s1, s17, $0xb8;
	[tilespmem:$0x9C00] =	vst v63  }
0x69: {  	_ =	swait.ge [sflag:s20], $0x400  }
0x6a: {  	[sflag:s20] =	ssyncset.done $0x0  }
0x6b: {  	s30 =	sadd.s32 $0x100, s30;
	[sflag:s20] =	ssyncadd.s32 $0xFFFFFC00  }
0x6c: {  	[tilespmem:s23], [sflag:$0x2] =	stream.indirect.gather [hbm4b:s4+s17], $0x8, s28, s17, $0xb8;
	[tilespmem:$0x9C00] =	vst v63  }
0x6d: {  	_ =	swait.ge [sflag:s24], $0x400  }
0x6e: {  	[sflag:s24] =	ssyncset.done $0x0  }
0x6f: {  	[sflag:s24] =	ssyncadd.s32 $0xFFFFFC00  }
0x70: {  	[hbm4b:s10+s3] =	stream.linear.scatter [tilespmem:s21], [sflag:$0x3], $0x400, $0x38;
	[tilespmem:$0x9C00] =	vst v63  }
0x71: {  	_ =	swait.ge [sflag:s25], $0x400  }
0x72: {  	[sflag:s25] =	ssyncset.done $0x0  }
0x73: {  	[sflag:s25] =	ssyncadd.s32 $0xFFFFFC00  }
0x74: {  	[hbm4b:s11+s3] =	stream.linear.scatter [tilespmem:s23], [sflag:$0x4], $0x400, $0x38;
	[tilespmem:$0x9C00] =	vst v63  }
0x75: {  	_ =	swait.ge [sflag:s19], $0x400  }
0x76: {  	[sflag:s19] =	ssyncset.done $0x0  }
0x77: {  	[sflag:s19] =	ssyncadd.s32 $0xFFFFFC00  }
0x78: {  	_ =	swait.ge [sflag:s20], $0x400  }
0x79: {  	[sflag:s20] =	ssyncset.done $0x0  }
0x7a: {  	[sflag:s20] =	ssyncadd.s32 $0xFFFFFC00  }
0x7b: {  	[bflag:$0x0] =	sbarrier.arrive $0xFFFF  }
0x7c: {  	[tilespmem:s3], [sflag:$0x5] =	stream.linear.gather [spmem:s5], $0x2800, $0x38;
	[tilespmem:$0x9C00] =	vst v63  }
0x7d: {  	s26 =	sadd.s32 $0x1, s26;
	_ =	swait.ge [sflag:s14], $0x2800  }
0x7e: {  	p0 =	sne.s32 s26, s9;
	[sflag:s14] =	ssyncset.done $0x0  }
.Ltmp4:
0x7f: {  	[sflag:s14] =	ssyncadd.s32 $0xFFFFD800;
	(pc) =	sbr.rel @p0 .LBB2_1-.Ltmp4, $4  }
0x80: {  	[hbm4b:s8+s3] =	stream.linear.scatter [tilespmem:s3], [sflag:$0x5], $0x2800, $0x38;
	[tilespmem:$0x9C00] =	vst v63  }
0x81: {  	_ =	swait.ge [sflag:s14], $0x2800  }
0x82: {  	[sflag:s14] =	ssyncset.done $0x0  }
0x83: {  	[sflag:s14] =	ssyncadd.s32 $0xFFFFD800  }
0x84: {  	_ =	sfence.sel $0x180000  }
0x85: {  	[bflag:$0x0] =	sbarrier.arrive $0xFFFF  }
0x86: {  	_ =	strace $0x90000047  }
0x87: {  	[bflag:$0x2] =	sbarrier.arrive $0xFFFF  }
0x88: {  	p0 =	sne.s32 s0, $0x0;
	s0 =	rddreg [dreg:$0x2]  }
0x89: {  	s0 =	sadd.s32 @!p0 $0x100000, s0  }
0x8a: {  	[sflag:s0] =	ssyncadd.tile.s32 @!p0 $0x1;
	_ =	shalt  }
.Lfunc_end2:
_tile_overlayer_lowered:
.L_overlay_start_2:
0x8b: {  	(tag) =	ssettag $0x2  }
0x8c: {  	s0 =	rddreg [dreg:$0x0];
	s2 =	stileid.u32  }
0x8d: {  	s1 =	rddreg [dreg:$0x1];
	p0 =	sne.s32 s2, $0x0  }
0x8e: {  	s3 =	rddreg [dreg:$0x2];
	[bflag:$0x3] =	sbarrier.arrive $0xFFFF;
	s2 =	simm.s32 @!p0 $0x1C05  }
0x8f: {  	[timem:s3], [sflag:s2] =	dma.local @!p0 [hbm:s0], s1  }
0x90: {  	s0 =	simm.s32 @!p0 $0x5  }
0x91: {  	_ =	swait.ge @!p0 [sflag:s0], s1  }
0x92: {  	s1 =	ssub.s32 @!p0 $0x0, s1;
	[sflag:s0] =	ssyncset.done @!p0 $0x0  }
0x93: {  	[sflag:s0] =	ssyncadd.s32 @!p0 s1  }
0x94: {  	[bflag:$0x3] =	sbarrier.arrive $0xFFFF  }
0x95: {  	_ =	shalt  }

</sc_bundles>
